<compile_context>
chip_gen: v7x
topology: tpu7x:2x2x1
jax: 0.10.2.dev20260603
libtpu: 0.0.44.dev20260713+nightly
codegen_flags: <defaults>
</compile_context>

<pallas_src>
import functools

import jax
import jax.numpy as jnp
import numpy as np
from jax import lax
from jax.experimental import pallas as pl
from jax.experimental.pallas import tpu as pltpu
from jax.experimental.pallas import tpu_sc as plsc

_DOMAIN_TO_CHOSEN = ((0, 2, 5), (1, 3, 6), (2, 4, 7), (0, 1, 2))

_NC, _NS = 1, 16
_NW = _NC * _NS
_CR = 8
_LANES = 16

_N_ROWS = 4096
_N_COLS = 2048
_ROWS_TC = 3840

_ROWS_PER_BLOCK = 256


def _tc_body(di_ref, tab_ref, x0_ref, x1_ref, x2_ref, o_ref):
    del di_ref, tab_ref
    o_ref[...] = (x0_ref[0] + x1_ref[0] + x2_ref[0]) * jnp.float32(1.0 / 3.0)


def _tc_mean(inputs, di_arr, table, n_rows, out_rows):
    nb = n_rows // _ROWS_PER_BLOCK
    blk = (1, _ROWS_PER_BLOCK, _N_COLS)

    def in_spec(k):
        return pl.BlockSpec(
            blk, lambda i, di_ref, tab_ref, _k=k: (tab_ref[di_ref[0], _k], i, 0))

    grid_spec = pltpu.PrefetchScalarGridSpec(
        num_scalar_prefetch=2,
        grid=(nb,),
        in_specs=[in_spec(0), in_spec(1), in_spec(2)],
        out_specs=pl.BlockSpec((_ROWS_PER_BLOCK, _N_COLS),
                               lambda i, di_ref, tab_ref: (i, 0)),
    )
    return pl.pallas_call(
        _tc_body,
        grid_spec=grid_spec,
        out_shape=jax.ShapeDtypeStruct((out_rows, _N_COLS), inputs.dtype),
    )(di_arr, table, inputs, inputs, inputs)


def _sc_mean(inputs_flat, idx_flat, n_rows):
    n_chunks = n_rows // _CR
    cpw = n_chunks // _NW
    iw = 3 * _CR
    mesh = plsc.VectorSubcoreMesh(
        core_axis_name="c", subcore_axis_name="s",
        num_cores=_NC, num_subcores=_NS)

    @functools.partial(
        pl.kernel,
        mesh=mesh,
        out_type=jax.ShapeDtypeStruct((n_rows, _N_COLS), jnp.float32),
        scratch_types=[
            pltpu.VMEM((cpw * iw,), jnp.int32),
            pltpu.VMEM((3 * _CR, _N_COLS), jnp.float32),
            pltpu.VMEM((3 * _CR, _N_COLS), jnp.float32),
            pltpu.VMEM((_CR, _N_COLS), jnp.float32),
            pltpu.SemaphoreType.DMA,
            pltpu.SemaphoreType.DMA,
            pltpu.SemaphoreType.DMA,
        ],
    )
    def sc_k(in_hbm, idx_hbm, out_hbm, idx_all, rows0, rows1,
             obuf, gsem0, gsem1, osem):
        wid = lax.axis_index("s") * _NC + lax.axis_index("c")
        base_chunk = wid * cpw
        rows = (rows0, rows1)
        gsems = (gsem0, gsem1)

        pltpu.sync_copy(idx_hbm.at[pl.ds(base_chunk * iw, cpw * iw)], idx_all)

        def gather(c, b):
            return pltpu.make_async_copy(
                in_hbm.at[idx_all.at[pl.ds(c * iw, iw)]], rows[b], gsems[b])

        def out_copy(c):
            return pltpu.make_async_copy(
                obuf, out_hbm.at[pl.ds((base_chunk + c) * _CR, _CR)], osem)

        def mean_chunk(r_v):
            @plsc.parallel_loop(0, _N_COLS, _LANES, unroll=4)
            def _(i):
                s = pl.ds(i, _LANES)
                for r in range(_CR):
                    m = r_v[r, s] + r_v[r + _CR, s] + r_v[r + 2 * _CR, s]
                    obuf[r, s] = m * jnp.float32(1.0 / 3.0)

        gather(0, 0).start()

        if cpw == 1:
            gather(0, 0).wait()
            mean_chunk(rows0)
            out_copy(0).start()
            out_copy(0).wait()
            return

        def pair_body(g, carry):
            for b in range(2):
                c = 2 * g + b
                gather(c, b).wait()
                if b == 0:
                    gather(c + 1, 1).start()
                else:
                    @pl.when(g < cpw // 2 - 1)
                    def _():
                        gather(c + 1, 0).start()
                if b == 0:
                    @pl.when(g > 0)
                    def _():
                        out_copy(c - 1).wait()
                else:
                    out_copy(c - 1).wait()

                mean_chunk(rows[b])
                out_copy(c).start()
            return carry

        lax.fori_loop(0, cpw // 2, pair_body, 0)
        out_copy(cpw - 1).wait()

    return sc_k(inputs_flat, idx_flat)


def kernel(inputs, domain_idx):
    n_cand, n_rows, n_cols = inputs.shape
    di_arr = jnp.asarray(domain_idx, dtype=jnp.int32).reshape(1)
    table = jnp.asarray(_DOMAIN_TO_CHOSEN, dtype=jnp.int32)

    n_sc = n_rows - _ROWS_TC
    if n_sc == 0:
        return _tc_mean(inputs, di_arr, table, n_rows, n_rows)

    inputs_flat = inputs.reshape(n_cand * n_rows, n_cols)
    np_tab = np.asarray(_DOMAIN_TO_CHOSEN, dtype=np.int32)
    np_rows = np.arange(_ROWS_TC, n_rows, dtype=np.int32).reshape(
        n_sc // _CR, 1, _CR)
    np_idx = (np_tab[:, None, :, None] * n_rows +
              np_rows[None]).reshape(4, -1)
    idx_flat = jnp.asarray(np_idx)[domain_idx]
    sc_part = _sc_mean(inputs_flat, idx_flat, n_sc)
    if _ROWS_TC == 0:
        return sc_part
    tc_full = _tc_mean(inputs, di_arr, table, _ROWS_TC, n_rows)
    return lax.dynamic_update_slice(tc_full, sc_part, (_ROWS_TC, 0))

# --- scband reference (transcript-rebuilt; emitter-appended) ---
"""Pipeline reference for scband-md-darts-sparce-input-choice-28862180229683 (READ-ONLY COPY).

The authoritative reference and input builder live on the scoring server;
editing this copy changes nothing except your own understanding.
"""

import jax, jax.numpy as jnp
import numpy as np

DOMAIN_TO_CHOSEN = [[0, 2, 5], [1, 3, 6], [2, 4, 7], [0, 1, 2]]

def setup_inputs(seed: int = 0) -> dict:
    key = jax.random.key(seed)
    k1, _ = jax.random.split(key)
    inputs = jax.random.normal(k1, (8, 4096, 2048), dtype=jnp.float32)
    domain_idx = 1
    return {"inputs": inputs, "domain_idx": domain_idx}

def reference(inputs, domain_idx):
    # torch.stack(inputs) corresponds to the pre-stacked candidate axis 0.
    table = jnp.array(DOMAIN_TO_CHOSEN, dtype=jnp.int32)
    chosen = table[domain_idx]
    # gather the chosen candidate tensors, then mean over the candidate axis
    selected = jnp.take(inputs, chosen, axis=0)
    output = jnp.mean(selected, axis=0)
    return output

if __name__ == "__main__":
    import jax
    _d = setup_inputs()
    print(jax.jit(kernel)(*tuple(_d.values())))

</pallas_src>

<mosaic_0001>
#map = affine_map<(d0, d1) -> (0, 0)>
#map1 = affine_map<(d0, d1) -> (0)>
module attributes {stable_mosaic.version = 14 : i64} {
  func.func @sc_k(%arg0: i32, %arg1: i32, %arg2: memref<32768x2048xf32, #tpu.memory_space<hbm>>, %arg3: memref<768xi32, #tpu.memory_space<hbm>>, %arg4: memref<256x2048xf32, #tpu.memory_space<hbm>>, %arg5: memref<48xi32, #tpu.memory_space<vmem>>, %arg6: memref<24x2048xf32, #tpu.memory_space<vmem>>, %arg7: memref<24x2048xf32, #tpu.memory_space<vmem>>, %arg8: memref<8x2048xf32, #tpu.memory_space<vmem>>, %arg9: memref<!tpu.dma_semaphore, #tpu.memory_space<semaphore_mem>>, %arg10: memref<!tpu.dma_semaphore, #tpu.memory_space<semaphore_mem>>, %arg11: memref<!tpu.dma_semaphore, #tpu.memory_space<semaphore_mem>>) attributes {dimension_semantics = [#tpu.dimension_semantics<core_parallel>, #tpu.dimension_semantics<subcore_parallel>], iteration_bounds = array<i64: 1, 16>, scalar_prefetch = 0 : i64, scratch_operands = 7 : i64, tpu.core_type = #tpu.core_type<sc_vector_subcore>, window_params = [{transform_indices = #map}, {transform_indices = #map1}, {transform_indices = #map}]} {
    %mul3A = arith.constant 1 : i32
    %mul3A_0 = arith.muli %arg1, %mul3A : i32
    %add3A = arith.addi %mul3A_0, %arg0 : i32
    %mul3A_1 = arith.constant 2 : i32
    %mul3A_2 = arith.muli %add3A, %mul3A_1 : i32
    %mul3A_3 = arith.constant 24 : i32
    %mul3A_4 = arith.muli %mul3A_2, %mul3A_3 : i32
    "tpu.region"() ({
      %run_scoped3A = tpu.sem_alloc : memref<!tpu.dma_semaphore, #tpu.memory_space<semaphore_mem>>
      %dma_start3A_79 = tpu.memref_slice %arg3[%mul3A_4] : memref<768xi32, #tpu.memory_space<hbm>> -> memref<48xi32, #tpu.memory_space<hbm>>
      %dma_start3A_80 = tpu.memref_slice %arg3[%mul3A_4] : memref<768xi32, #tpu.memory_space<hbm>> -> memref<48xi32, #tpu.memory_space<hbm>>
      tpu.enqueue_dma source(%dma_start3A_80 : memref<48xi32, #tpu.memory_space<hbm>>) target(%arg5 : memref<48xi32, #tpu.memory_space<vmem>>) target_semaphore(%run_scoped3A : memref<!tpu.dma_semaphore, #tpu.memory_space<semaphore_mem>>)
      %dma_wait3A_81 = tpu.memref_slice %arg3[%mul3A_4] : memref<768xi32, #tpu.memory_space<hbm>> -> memref<48xi32, #tpu.memory_space<hbm>>
      %dma_wait3A_82 = tpu.memref_slice %arg3[%mul3A_4] : memref<768xi32, #tpu.memory_space<hbm>> -> memref<48xi32, #tpu.memory_space<hbm>>
      tpu.wait_dma2 semaphore(%run_scoped3A : memref<!tpu.dma_semaphore, #tpu.memory_space<semaphore_mem>>) src(%dma_wait3A_82 : memref<48xi32, #tpu.memory_space<hbm>>) dst(%arg5 : memref<48xi32, #tpu.memory_space<vmem>>)
      tpu.yield
    }) : () -> ()
    %dma_start3A = arith.constant 0 : i32
    %dma_start3A_5 = tpu.memref_slice %arg5[%dma_start3A] : memref<48xi32, #tpu.memory_space<vmem>> -> memref<24xi32, #tpu.memory_space<vmem>>
    %dma_start3A_6 = arith.constant 0 : i32
    %dma_start3A_7 = arith.constant 0 : i32
    %dma_start3A_8 = tpu.memref_slice %arg2[%dma_start3A_6, %dma_start3A_7] : memref<32768x2048xf32, #tpu.memory_space<hbm>> -> memref<32768x2048xf32, #tpu.memory_space<hbm>>
    tpu.enqueue_indirect_dma source(%dma_start3A_8 : memref<32768x2048xf32, #tpu.memory_space<hbm>>) target(%arg6 : memref<24x2048xf32, #tpu.memory_space<vmem>>) offsets(%dma_start3A_5 : memref<24xi32, #tpu.memory_space<vmem>>) semaphore(%arg9 : memref<!tpu.dma_semaphore, #tpu.memory_space<semaphore_mem>>)
    %scan3A = arith.constant 0 : i32
    %scan3A_9 = arith.constant 0 : i32
    %mul3A_10 = arith.constant 2 : i32
    %mul3A_11 = arith.muli %mul3A_10, %scan3A_9 : i32
    %add3A_12 = arith.constant 0 : i32
    %add3A_13 = arith.addi %mul3A_11, %add3A_12 : i32
    %mul3A_14 = arith.constant 24 : i32
    %mul3A_15 = arith.muli %add3A_13, %mul3A_14 : i32
    %dma_wait3A = tpu.memref_slice %arg5[%mul3A_15] : memref<48xi32, #tpu.memory_space<vmem>> -> memref<24xi32, #tpu.memory_space<vmem>>
    %dma_wait3A_16 = arith.constant 0 : i32
    %dma_wait3A_17 = arith.constant 0 : i32
    %dma_wait3A_18 = tpu.memref_slice %arg2[%dma_wait3A_16, %dma_wait3A_17] : memref<32768x2048xf32, #tpu.memory_space<hbm>> -> memref<32768x2048xf32, #tpu.memory_space<hbm>>
    tpu.wait_indirect_dma semaphore(%arg9 : memref<!tpu.dma_semaphore, #tpu.memory_space<semaphore_mem>>) src(%dma_wait3A_18 : memref<32768x2048xf32, #tpu.memory_space<hbm>>) dst(%arg6 : memref<24x2048xf32, #tpu.memory_space<vmem>>)
    %add3A_19 = arith.constant 1 : i32
    %add3A_20 = arith.addi %add3A_13, %add3A_19 : i32
    %mul3A_21 = arith.constant 24 : i32
    %mul3A_22 = arith.muli %add3A_20, %mul3A_21 : i32
    %dma_start3A_23 = tpu.memref_slice %arg5[%mul3A_22] : memref<48xi32, #tpu.memory_space<vmem>> -> memref<24xi32, #tpu.memory_space<vmem>>
    %dma_start3A_24 = arith.constant 0 : i32
    %dma_start3A_25 = arith.constant 0 : i32
    %dma_start3A_26 = tpu.memref_slice %arg2[%dma_start3A_24, %dma_start3A_25] : memref<32768x2048xf32, #tpu.memory_space<hbm>> -> memref<32768x2048xf32, #tpu.memory_space<hbm>>
    tpu.enqueue_indirect_dma source(%dma_start3A_26 : memref<32768x2048xf32, #tpu.memory_space<hbm>>) target(%arg7 : memref<24x2048xf32, #tpu.memory_space<vmem>>) offsets(%dma_start3A_23 : memref<24xi32, #tpu.memory_space<vmem>>) semaphore(%arg10 : memref<!tpu.dma_semaphore, #tpu.memory_space<semaphore_mem>>)
    %gt3A = arith.constant 0 : i32
    %gt3A_27 = arith.cmpi sgt, %scan3A_9, %gt3A : i32
    %convert_element_type3A = arith.extui %gt3A_27 : i1 to i32
    %cond3A = arith.constant 0 : i32
    %cond3A_28 = arith.cmpi ne, %convert_element_type3A, %cond3A : i32
    scf.if %cond3A_28 {
      %sub3A_79 = arith.constant 1 : i32
      %sub3A_80 = arith.subi %add3A_13, %sub3A_79 : i32
      %add3A_81 = arith.addi %mul3A_2, %sub3A_80 : i32
      %mul3A_82 = arith.constant 8 : i32
      %mul3A_83 = arith.muli %add3A_81, %mul3A_82 : i32
      %dma_wait3A_84 = arith.constant 0 : i32
      %dma_wait3A_85 = tpu.memref_slice %arg4[%mul3A_83, %dma_wait3A_84] : memref<256x2048xf32, #tpu.memory_space<hbm>> -> memref<8x2048xf32, #tpu.memory_space<hbm>>
      %dma_wait3A_86 = arith.constant 0 : i32
      %dma_wait3A_87 = tpu.memref_slice %arg4[%mul3A_83, %dma_wait3A_86] : memref<256x2048xf32, #tpu.memory_space<hbm>> -> memref<8x2048xf32, #tpu.memory_space<hbm>>
      tpu.wait_dma2 semaphore(%arg11 : memref<!tpu.dma_semaphore, #tpu.memory_space<semaphore_mem>>) src(%arg8 : memref<8x2048xf32, #tpu.memory_space<vmem>>) dst(%dma_wait3A_87 : memref<8x2048xf32, #tpu.memory_space<hbm>>)
    } else {
    }
    %parallel_loop3A = arith.constant 0 : i32
    %parallel_loop3A_29 = arith.constant 2048 : i32
    %parallel_loop3A_30 = arith.constant 16 : i32
    scf.for %parallel_loop3A_79 = %parallel_loop3A to %parallel_loop3A_29 step %parallel_loop3A_30  : i32 {
      %parallel_loop3A_80 = arith.constant 0 : i32
      %parallel_loop3A_81 = arith.index_cast %parallel_loop3A_80 : i32 to index
      %parallel_loop3A_82 = arith.index_cast %parallel_loop3A_79 : i32 to index
      %parallel_loop3A_83 = tpu.vector_load %arg6[%parallel_loop3A_81, %parallel_loop3A_82] {strides = array<i32>} : memref<24x2048xf32, #tpu.memory_space<vmem>>, vector<1x16xf32>,
      %parallel_loop3A_84 = vector.shape_cast %parallel_loop3A_83 : vector<1x16xf32> to vector<16xf32>
      %parallel_loop3A_85 = arith.constant 8 : i32
      %parallel_loop3A_86 = arith.index_cast %parallel_loop3A_85 : i32 to index
      %parallel_loop3A_87 = arith.index_cast %parallel_loop3A_79 : i32 to index
      %parallel_loop3A_88 = tpu.vector_load %arg6[%parallel_loop3A_86, %parallel_loop3A_87] {strides = array<i32>} : memref<24x2048xf32, #tpu.memory_space<vmem>>, vector<1x16xf32>,
      %parallel_loop3A_89 = vector.shape_cast %parallel_loop3A_88 : vector<1x16xf32> to vector<16xf32>
      %parallel_loop3A_90 = arith.addf %parallel_loop3A_84, %parallel_loop3A_89 : vector<16xf32>
      %parallel_loop3A_91 = arith.constant 16 : i32
      %parallel_loop3A_92 = arith.index_cast %parallel_loop3A_91 : i32 to index
      %parallel_loop3A_93 = arith.index_cast %parallel_loop3A_79 : i32 to index
      %parallel_loop3A_94 = tpu.vector_load %arg6[%parallel_loop3A_92, %parallel_loop3A_93] {strides = array<i32>} : memref<24x2048xf32, #tpu.memory_space<vmem>>, vector<1x16xf32>,
      %parallel_loop3A_95 = vector.shape_cast %parallel_loop3A_94 : vector<1x16xf32> to vector<16xf32>
      %parallel_loop3A_96 = arith.addf %parallel_loop3A_90, %parallel_loop3A_95 : vector<16xf32>
      %parallel_loop3A_97 = arith.constant 0.333333343 : f32
      %parallel_loop3A_98 = vector.broadcast %parallel_loop3A_97 : f32 to vector<16xf32>
      %parallel_loop3A_99 = arith.mulf %parallel_loop3A_96, %parallel_loop3A_98 : vector<16xf32>
      %parallel_loop3A_100 = arith.constant 0 : i32
      %parallel_loop3A_101 = arith.index_cast %parallel_loop3A_100 : i32 to index
      %parallel_loop3A_102 = arith.index_cast %parallel_loop3A_79 : i32 to index
      %parallel_loop3A_103 = tpu.vector_load %arg8[%parallel_loop3A_101, %parallel_loop3A_102] {strides = array<i32>} : memref<8x2048xf32, #tpu.memory_space<vmem>>, vector<1x16xf32>,
      %parallel_loop3A_104 = vector.shape_cast %parallel_loop3A_103 : vector<1x16xf32> to vector<16xf32>
      %parallel_loop3A_105 = vector.shape_cast %parallel_loop3A_99 : vector<16xf32> to vector<1x16xf32>
      tpu.vector_store %arg8[%parallel_loop3A_101, %parallel_loop3A_102], %parallel_loop3A_105 {strides = array<i32>} : memref<8x2048xf32, #tpu.memory_space<vmem>>, vector<1x16xf32>,
      %parallel_loop3A_106 = arith.constant 1 : i32
      %parallel_loop3A_107 = arith.index_cast %parallel_loop3A_106 : i32 to index
      %parallel_loop3A_108 = arith.index_cast %parallel_loop3A_79 : i32 to index
      %parallel_loop3A_109 = tpu.vector_load %arg6[%parallel_loop3A_107, %parallel_loop3A_108] {strides = array<i32>} : memref<24x2048xf32, #tpu.memory_space<vmem>>, vector<1x16xf32>,
      %parallel_loop3A_110 = vector.shape_cast %parallel_loop3A_109 : vector<1x16xf32> to vector<16xf32>
      %parallel_loop3A_111 = arith.constant 9 : i32
      %parallel_loop3A_112 = arith.index_cast %parallel_loop3A_111 : i32 to index
      %parallel_loop3A_113 = arith.index_cast %parallel_loop3A_79 : i32 to index
      %parallel_loop3A_114 = tpu.vector_load %arg6[%parallel_loop3A_112, %parallel_loop3A_113] {strides = array<i32>} : memref<24x2048xf32, #tpu.memory_space<vmem>>, vector<1x16xf32>,
      %parallel_loop3A_115 = vector.shape_cast %parallel_loop3A_114 : vector<1x16xf32> to vector<16xf32>
      %parallel_loop3A_116 = arith.addf %parallel_loop3A_110, %parallel_loop3A_115 : vector<16xf32>
      %parallel_loop3A_117 = arith.constant 17 : i32
      %parallel_loop3A_118 = arith.index_cast %parallel_loop3A_117 : i32 to index
      %parallel_loop3A_119 = arith.index_cast %parallel_loop3A_79 : i32 to index
      %parallel_loop3A_120 = tpu.vector_load %arg6[%parallel_loop3A_118, %parallel_loop3A_119] {strides = array<i32>} : memref<24x2048xf32, #tpu.memory_space<vmem>>, vector<1x16xf32>,
      %parallel_loop3A_121 = vector.shape_cast %parallel_loop3A_120 : vector<1x16xf32> to vector<16xf32>
      %parallel_loop3A_122 = arith.addf %parallel_loop3A_116, %parallel_loop3A_121 : vector<16xf32>
      %parallel_loop3A_123 = arith.constant 0.333333343 : f32
      %parallel_loop3A_124 = vector.broadcast %parallel_loop3A_123 : f32 to vector<16xf32>
      %parallel_loop3A_125 = arith.mulf %parallel_loop3A_122, %parallel_loop3A_124 : vector<16xf32>
      %parallel_loop3A_126 = arith.constant 1 : i32
      %parallel_loop3A_127 = arith.index_cast %parallel_loop3A_126 : i32 to index
      %parallel_loop3A_128 = arith.index_cast %parallel_loop3A_79 : i32 to index
      %parallel_loop3A_129 = tpu.vector_load %arg8[%parallel_loop3A_127, %parallel_loop3A_128] {strides = array<i32>} : memref<8x2048xf32, #tpu.memory_space<vmem>>, vector<1x16xf32>,
      %parallel_loop3A_130 = vector.shape_cast %parallel_loop3A_129 : vector<1x16xf32> to vector<16xf32>
      %parallel_loop3A_131 = vector.shape_cast %parallel_loop3A_125 : vector<16xf32> to vector<1x16xf32>
      tpu.vector_store %arg8[%parallel_loop3A_127, %parallel_loop3A_128], %parallel_loop3A_131 {strides = array<i32>} : memref<8x2048xf32, #tpu.memory_space<vmem>>, vector<1x16xf32>,
      %parallel_loop3A_132 = arith.constant 2 : i32
      %parallel_loop3A_133 = arith.index_cast %parallel_loop3A_132 : i32 to index
      %parallel_loop3A_134 = arith.index_cast %parallel_loop3A_79 : i32 to index
      %parallel_loop3A_135 = tpu.vector_load %arg6[%parallel_loop3A_133, %parallel_loop3A_134] {strides = array<i32>} : memref<24x2048xf32, #tpu.memory_space<vmem>>, vector<1x16xf32>,
      %parallel_loop3A_136 = vector.shape_cast %parallel_loop3A_135 : vector<1x16xf32> to vector<16xf32>
      %parallel_loop3A_137 = arith.constant 10 : i32
      %parallel_loop3A_138 = arith.index_cast %parallel_loop3A_137 : i32 to index
      %parallel_loop3A_139 = arith.index_cast %parallel_loop3A_79 : i32 to index
      %parallel_loop3A_140 = tpu.vector_load %arg6[%parallel_loop3A_138, %parallel_loop3A_139] {strides = array<i32>} : memref<24x2048xf32, #tpu.memory_space<vmem>>, vector<1x16xf32>,
      %parallel_loop3A_141 = vector.shape_cast %parallel_loop3A_140 : vector<1x16xf32> to vector<16xf32>
      %parallel_loop3A_142 = arith.addf %parallel_loop3A_136, %parallel_loop3A_141 : vector<16xf32>
      %parallel_loop3A_143 = arith.constant 18 : i32
      %parallel_loop3A_144 = arith.index_cast %parallel_loop3A_143 : i32 to index
      %parallel_loop3A_145 = arith.index_cast %parallel_loop3A_79 : i32 to index
      %parallel_loop3A_146 = tpu.vector_load %arg6[%parallel_loop3A_144, %parallel_loop3A_145] {strides = array<i32>} : memref<24x2048xf32, #tpu.memory_space<vmem>>, vector<1x16xf32>,
      %parallel_loop3A_147 = vector.shape_cast %parallel_loop3A_146 : vector<1x16xf32> to vector<16xf32>
      %parallel_loop3A_148 = arith.addf %parallel_loop3A_142, %parallel_loop3A_147 : vector<16xf32>
      %parallel_loop3A_149 = arith.constant 0.333333343 : f32
      %parallel_loop3A_150 = vector.broadcast %parallel_loop3A_149 : f32 to vector<16xf32>
      %parallel_loop3A_151 = arith.mulf %parallel_loop3A_148, %parallel_loop3A_150 : vector<16xf32>
      %parallel_loop3A_152 = arith.constant 2 : i32
      %parallel_loop3A_153 = arith.index_cast %parallel_loop3A_152 : i32 to index
      %parallel_loop3A_154 = arith.index_cast %parallel_loop3A_79 : i32 to index
      %parallel_loop3A_155 = tpu.vector_load %arg8[%parallel_loop3A_153, %parallel_loop3A_154] {strides = array<i32>} : memref<8x2048xf32, #tpu.memory_space<vmem>>, vector<1x16xf32>,
      %parallel_loop3A_156 = vector.shape_cast %parallel_loop3A_155 : vector<1x16xf32> to vector<16xf32>
      %parallel_loop3A_157 = vector.shape_cast %parallel_loop3A_151 : vector<16xf32> to vector<1x16xf32>
      tpu.vector_store %arg8[%parallel_loop3A_153, %parallel_loop3A_154], %parallel_loop3A_157 {strides = array<i32>} : memref<8x2048xf32, #tpu.memory_space<vmem>>, vector<1x16xf32>,
      %parallel_loop3A_158 = arith.constant 3 : i32
      %parallel_loop3A_159 = arith.index_cast %parallel_loop3A_158 : i32 to index
      %parallel_loop3A_160 = arith.index_cast %parallel_loop3A_79 : i32 to index
      %parallel_loop3A_161 = tpu.vector_load %arg6[%parallel_loop3A_159, %parallel_loop3A_160] {strides = array<i32>} : memref<24x2048xf32, #tpu.memory_space<vmem>>, vector<1x16xf32>,
      %parallel_loop3A_162 = vector.shape_cast %parallel_loop3A_161 : vector<1x16xf32> to vector<16xf32>
      %parallel_loop3A_163 = arith.constant 11 : i32
      %parallel_loop3A_164 = arith.index_cast %parallel_loop3A_163 : i32 to index
      %parallel_loop3A_165 = arith.index_cast %parallel_loop3A_79 : i32 to index
      %parallel_loop3A_166 = tpu.vector_load %arg6[%parallel_loop3A_164, %parallel_loop3A_165] {strides = array<i32>} : memref<24x2048xf32, #tpu.memory_space<vmem>>, vector<1x16xf32>,
      %parallel_loop3A_167 = vector.shape_cast %parallel_loop3A_166 : vector<1x16xf32> to vector<16xf32>
      %parallel_loop3A_168 = arith.addf %parallel_loop3A_162, %parallel_loop3A_167 : vector<16xf32>
      %parallel_loop3A_169 = arith.constant 19 : i32
      %parallel_loop3A_170 = arith.index_cast %parallel_loop3A_169 : i32 to index
      %parallel_loop3A_171 = arith.index_cast %parallel_loop3A_79 : i32 to index
      %parallel_loop3A_172 = tpu.vector_load %arg6[%parallel_loop3A_170, %parallel_loop3A_171] {strides = array<i32>} : memref<24x2048xf32, #tpu.memory_space<vmem>>, vector<1x16xf32>,
      %parallel_loop3A_173 = vector.shape_cast %parallel_loop3A_172 : vector<1x16xf32> to vector<16xf32>
      %parallel_loop3A_174 = arith.addf %parallel_loop3A_168, %parallel_loop3A_173 : vector<16xf32>
      %parallel_loop3A_175 = arith.constant 0.333333343 : f32
      %parallel_loop3A_176 = vector.broadcast %parallel_loop3A_175 : f32 to vector<16xf32>
      %parallel_loop3A_177 = arith.mulf %parallel_loop3A_174, %parallel_loop3A_176 : vector<16xf32>
      %parallel_loop3A_178 = arith.constant 3 : i32
      %parallel_loop3A_179 = arith.index_cast %parallel_loop3A_178 : i32 to index
      %parallel_loop3A_180 = arith.index_cast %parallel_loop3A_79 : i32 to index
      %parallel_loop3A_181 = tpu.vector_load %arg8[%parallel_loop3A_179, %parallel_loop3A_180] {strides = array<i32>} : memref<8x2048xf32, #tpu.memory_space<vmem>>, vector<1x16xf32>,
      %parallel_loop3A_182 = vector.shape_cast %parallel_loop3A_181 : vector<1x16xf32> to vector<16xf32>
      %parallel_loop3A_183 = vector.shape_cast %parallel_loop3A_177 : vector<16xf32> to vector<1x16xf32>
      tpu.vector_store %arg8[%parallel_loop3A_179, %parallel_loop3A_180], %parallel_loop3A_183 {strides = array<i32>} : memref<8x2048xf32, #tpu.memory_space<vmem>>, vector<1x16xf32>,
      %parallel_loop3A_184 = arith.constant 4 : i32
      %parallel_loop3A_185 = arith.index_cast %parallel_loop3A_184 : i32 to index
      %parallel_loop3A_186 = arith.index_cast %parallel_loop3A_79 : i32 to index
      %parallel_loop3A_187 = tpu.vector_load %arg6[%parallel_loop3A_185, %parallel_loop3A_186] {strides = array<i32>} : memref<24x2048xf32, #tpu.memory_space<vmem>>, vector<1x16xf32>,
      %parallel_loop3A_188 = vector.shape_cast %parallel_loop3A_187 : vector<1x16xf32> to vector<16xf32>
      %parallel_loop3A_189 = arith.constant 12 : i32
      %parallel_loop3A_190 = arith.index_cast %parallel_loop3A_189 : i32 to index
      %parallel_loop3A_191 = arith.index_cast %parallel_loop3A_79 : i32 to index
      %parallel_loop3A_192 = tpu.vector_load %arg6[%parallel_loop3A_190, %parallel_loop3A_191] {strides = array<i32>} : memref<24x2048xf32, #tpu.memory_space<vmem>>, vector<1x16xf32>,
      %parallel_loop3A_193 = vector.shape_cast %parallel_loop3A_192 : vector<1x16xf32> to vector<16xf32>
      %parallel_loop3A_194 = arith.addf %parallel_loop3A_188, %parallel_loop3A_193 : vector<16xf32>
      %parallel_loop3A_195 = arith.constant 20 : i32
      %parallel_loop3A_196 = arith.index_cast %parallel_loop3A_195 : i32 to index
      %parallel_loop3A_197 = arith.index_cast %parallel_loop3A_79 : i32 to index
      %parallel_loop3A_198 = tpu.vector_load %arg6[%parallel_loop3A_196, %parallel_loop3A_197] {strides = array<i32>} : memref<24x2048xf32, #tpu.memory_space<vmem>>, vector<1x16xf32>,
      %parallel_loop3A_199 = vector.shape_cast %parallel_loop3A_198 : vector<1x16xf32> to vector<16xf32>
      %parallel_loop3A_200 = arith.addf %parallel_loop3A_194, %parallel_loop3A_199 : vector<16xf32>
      %parallel_loop3A_201 = arith.constant 0.333333343 : f32
      %parallel_loop3A_202 = vector.broadcast %parallel_loop3A_201 : f32 to vector<16xf32>
      %parallel_loop3A_203 = arith.mulf %parallel_loop3A_200, %parallel_loop3A_202 : vector<16xf32>
      %parallel_loop3A_204 = arith.constant 4 : i32
      %parallel_loop3A_205 = arith.index_cast %parallel_loop3A_204 : i32 to index
      %parallel_loop3A_206 = arith.index_cast %parallel_loop3A_79 : i32 to index
      %parallel_loop3A_207 = tpu.vector_load %arg8[%parallel_loop3A_205, %parallel_loop3A_206] {strides = array<i32>} : memref<8x2048xf32, #tpu.memory_space<vmem>>, vector<1x16xf32>,
      %parallel_loop3A_208 = vector.shape_cast %parallel_loop3A_207 : vector<1x16xf32> to vector<16xf32>
      %parallel_loop3A_209 = vector.shape_cast %parallel_loop3A_203 : vector<16xf32> to vector<1x16xf32>
      tpu.vector_store %arg8[%parallel_loop3A_205, %parallel_loop3A_206], %parallel_loop3A_209 {strides = array<i32>} : memref<8x2048xf32, #tpu.memory_space<vmem>>, vector<1x16xf32>,
      %parallel_loop3A_210 = arith.constant 5 : i32
      %parallel_loop3A_211 = arith.index_cast %parallel_loop3A_210 : i32 to index
      %parallel_loop3A_212 = arith.index_cast %parallel_loop3A_79 : i32 to index
      %parallel_loop3A_213 = tpu.vector_load %arg6[%parallel_loop3A_211, %parallel_loop3A_212] {strides = array<i32>} : memref<24x2048xf32, #tpu.memory_space<vmem>>, vector<1x16xf32>,
      %parallel_loop3A_214 = vector.shape_cast %parallel_loop3A_213 : vector<1x16xf32> to vector<16xf32>
      %parallel_loop3A_215 = arith.constant 13 : i32
      %parallel_loop3A_216 = arith.index_cast %parallel_loop3A_215 : i32 to index
      %parallel_loop3A_217 = arith.index_cast %parallel_loop3A_79 : i32 to index
      %parallel_loop3A_218 = tpu.vector_load %arg6[%parallel_loop3A_216, %parallel_loop3A_217] {strides = array<i32>} : memref<24x2048xf32, #tpu.memory_space<vmem>>, vector<1x16xf32>,
      %parallel_loop3A_219 = vector.shape_cast %parallel_loop3A_218 : vector<1x16xf32> to vector<16xf32>
      %parallel_loop3A_220 = arith.addf %parallel_loop3A_214, %parallel_loop3A_219 : vector<16xf32>
      %parallel_loop3A_221 = arith.constant 21 : i32
      %parallel_loop3A_222 = arith.index_cast %parallel_loop3A_221 : i32 to index
      %parallel_loop3A_223 = arith.index_cast %parallel_loop3A_79 : i32 to index
      %parallel_loop3A_224 = tpu.vector_load %arg6[%parallel_loop3A_222, %parallel_loop3A_223] {strides = array<i32>} : memref<24x2048xf32, #tpu.memory_space<vmem>>, vector<1x16xf32>,
      %parallel_loop3A_225 = vector.shape_cast %parallel_loop3A_224 : vector<1x16xf32> to vector<16xf32>
      %parallel_loop3A_226 = arith.addf %parallel_loop3A_220, %parallel_loop3A_225 : vector<16xf32>
      %parallel_loop3A_227 = arith.constant 0.333333343 : f32
      %parallel_loop3A_228 = vector.broadcast %parallel_loop3A_227 : f32 to vector<16xf32>
      %parallel_loop3A_229 = arith.mulf %parallel_loop3A_226, %parallel_loop3A_228 : vector<16xf32>
      %parallel_loop3A_230 = arith.constant 5 : i32
      %parallel_loop3A_231 = arith.index_cast %parallel_loop3A_230 : i32 to index
      %parallel_loop3A_232 = arith.index_cast %parallel_loop3A_79 : i32 to index
      %parallel_loop3A_233 = tpu.vector_load %arg8[%parallel_loop3A_231, %parallel_loop3A_232] {strides = array<i32>} : memref<8x2048xf32, #tpu.memory_space<vmem>>, vector<1x16xf32>,
      %parallel_loop3A_234 = vector.shape_cast %parallel_loop3A_233 : vector<1x16xf32> to vector<16xf32>
      %parallel_loop3A_235 = vector.shape_cast %parallel_loop3A_229 : vector<16xf32> to vector<1x16xf32>
      tpu.vector_store %arg8[%parallel_loop3A_231, %parallel_loop3A_232], %parallel_loop3A_235 {strides = array<i32>} : memref<8x2048xf32, #tpu.memory_space<vmem>>, vector<1x16xf32>,
      %parallel_loop3A_236 = arith.constant 6 : i32
      %parallel_loop3A_237 = arith.index_cast %parallel_loop3A_236 : i32 to index
      %parallel_loop3A_238 = arith.index_cast %parallel_loop3A_79 : i32 to index
      %parallel_loop3A_239 = tpu.vector_load %arg6[%parallel_loop3A_237, %parallel_loop3A_238] {strides = array<i32>} : memref<24x2048xf32, #tpu.memory_space<vmem>>, vector<1x16xf32>,
      %parallel_loop3A_240 = vector.shape_cast %parallel_loop3A_239 : vector<1x16xf32> to vector<16xf32>
      %parallel_loop3A_241 = arith.constant 14 : i32
      %parallel_loop3A_242 = arith.index_cast %parallel_loop3A_241 : i32 to index
      %parallel_loop3A_243 = arith.index_cast %parallel_loop3A_79 : i32 to index
      %parallel_loop3A_244 = tpu.vector_load %arg6[%parallel_loop3A_242, %parallel_loop3A_243] {strides = array<i32>} : memref<24x2048xf32, #tpu.memory_space<vmem>>, vector<1x16xf32>,
      %parallel_loop3A_245 = vector.shape_cast %parallel_loop3A_244 : vector<1x16xf32> to vector<16xf32>
      %parallel_loop3A_246 = arith.addf %parallel_loop3A_240, %parallel_loop3A_245 : vector<16xf32>
      %parallel_loop3A_247 = arith.constant 22 : i32
      %parallel_loop3A_248 = arith.index_cast %parallel_loop3A_247 : i32 to index
      %parallel_loop3A_249 = arith.index_cast %parallel_loop3A_79 : i32 to index
      %parallel_loop3A_250 = tpu.vector_load %arg6[%parallel_loop3A_248, %parallel_loop3A_249] {strides = array<i32>} : memref<24x2048xf32, #tpu.memory_space<vmem>>, vector<1x16xf32>,
      %parallel_loop3A_251 = vector.shape_cast %parallel_loop3A_250 : vector<1x16xf32> to vector<16xf32>
      %parallel_loop3A_252 = arith.addf %parallel_loop3A_246, %parallel_loop3A_251 : vector<16xf32>
      %parallel_loop3A_253 = arith.constant 0.333333343 : f32
      %parallel_loop3A_254 = vector.broadcast %parallel_loop3A_253 : f32 to vector<16xf32>
      %parallel_loop3A_255 = arith.mulf %parallel_loop3A_252, %parallel_loop3A_254 : vector<16xf32>
      %parallel_loop3A_256 = arith.constant 6 : i32
      %parallel_loop3A_257 = arith.index_cast %parallel_loop3A_256 : i32 to index
      %parallel_loop3A_258 = arith.index_cast %parallel_loop3A_79 : i32 to index
      %parallel_loop3A_259 = tpu.vector_load %arg8[%parallel_loop3A_257, %parallel_loop3A_258] {strides = array<i32>} : memref<8x2048xf32, #tpu.memory_space<vmem>>, vector<1x16xf32>,
      %parallel_loop3A_260 = vector.shape_cast %parallel_loop3A_259 : vector<1x16xf32> to vector<16xf32>
      %parallel_loop3A_261 = vector.shape_cast %parallel_loop3A_255 : vector<16xf32> to vector<1x16xf32>
      tpu.vector_store %arg8[%parallel_loop3A_257, %parallel_loop3A_258], %parallel_loop3A_261 {strides = array<i32>} : memref<8x2048xf32, #tpu.memory_space<vmem>>, vector<1x16xf32>,
      %parallel_loop3A_262 = arith.constant 7 : i32
      %parallel_loop3A_263 = arith.index_cast %parallel_loop3A_262 : i32 to index
      %parallel_loop3A_264 = arith.index_cast %parallel_loop3A_79 : i32 to index
      %parallel_loop3A_265 = tpu.vector_load %arg6[%parallel_loop3A_263, %parallel_loop3A_264] {strides = array<i32>} : memref<24x2048xf32, #tpu.memory_space<vmem>>, vector<1x16xf32>,
      %parallel_loop3A_266 = vector.shape_cast %parallel_loop3A_265 : vector<1x16xf32> to vector<16xf32>
      %parallel_loop3A_267 = arith.constant 15 : i32
      %parallel_loop3A_268 = arith.index_cast %parallel_loop3A_267 : i32 to index
      %parallel_loop3A_269 = arith.index_cast %parallel_loop3A_79 : i32 to index
      %parallel_loop3A_270 = tpu.vector_load %arg6[%parallel_loop3A_268, %parallel_loop3A_269] {strides = array<i32>} : memref<24x2048xf32, #tpu.memory_space<vmem>>, vector<1x16xf32>,
      %parallel_loop3A_271 = vector.shape_cast %parallel_loop3A_270 : vector<1x16xf32> to vector<16xf32>
      %parallel_loop3A_272 = arith.addf %parallel_loop3A_266, %parallel_loop3A_271 : vector<16xf32>
      %parallel_loop3A_273 = arith.constant 23 : i32
      %parallel_loop3A_274 = arith.index_cast %parallel_loop3A_273 : i32 to index
      %parallel_loop3A_275 = arith.index_cast %parallel_loop3A_79 : i32 to index
      %parallel_loop3A_276 = tpu.vector_load %arg6[%parallel_loop3A_274, %parallel_loop3A_275] {strides = array<i32>} : memref<24x2048xf32, #tpu.memory_space<vmem>>, vector<1x16xf32>,
      %parallel_loop3A_277 = vector.shape_cast %parallel_loop3A_276 : vector<1x16xf32> to vector<16xf32>
      %parallel_loop3A_278 = arith.addf %parallel_loop3A_272, %parallel_loop3A_277 : vector<16xf32>
      %parallel_loop3A_279 = arith.constant 0.333333343 : f32
      %parallel_loop3A_280 = vector.broadcast %parallel_loop3A_279 : f32 to vector<16xf32>
      %parallel_loop3A_281 = arith.mulf %parallel_loop3A_278, %parallel_loop3A_280 : vector<16xf32>
      %parallel_loop3A_282 = arith.constant 7 : i32
      %parallel_loop3A_283 = arith.index_cast %parallel_loop3A_282 : i32 to index
      %parallel_loop3A_284 = arith.index_cast %parallel_loop3A_79 : i32 to index
      %parallel_loop3A_285 = tpu.vector_load %arg8[%parallel_loop3A_283, %parallel_loop3A_284] {strides = array<i32>} : memref<8x2048xf32, #tpu.memory_space<vmem>>, vector<1x16xf32>,
      %parallel_loop3A_286 = vector.shape_cast %parallel_loop3A_285 : vector<1x16xf32> to vector<16xf32>
      %parallel_loop3A_287 = vector.shape_cast %parallel_loop3A_281 : vector<16xf32> to vector<1x16xf32>
      tpu.vector_store %arg8[%parallel_loop3A_283, %parallel_loop3A_284], %parallel_loop3A_287 {strides = array<i32>} : memref<8x2048xf32, #tpu.memory_space<vmem>>, vector<1x16xf32>,
    } {sc.loop_unroll_factor = 4 : i64, sc.parallel_access}
    %add3A_31 = arith.addi %mul3A_2, %add3A_13 : i32
    %mul3A_32 = arith.constant 8 : i32
    %mul3A_33 = arith.muli %add3A_31, %mul3A_32 : i32
    %dma_start3A_34 = arith.constant 0 : i32
    %dma_start3A_35 = tpu.memref_slice %arg4[%mul3A_33, %dma_start3A_34] : memref<256x2048xf32, #tpu.memory_space<hbm>> -> memref<8x2048xf32, #tpu.memory_space<hbm>>
    %dma_start3A_36 = arith.constant 0 : i32
    %dma_start3A_37 = tpu.memref_slice %arg4[%mul3A_33, %dma_start3A_36] : memref<256x2048xf32, #tpu.memory_space<hbm>> -> memref<8x2048xf32, #tpu.memory_space<hbm>>
    tpu.enqueue_dma source(%arg8 : memref<8x2048xf32, #tpu.memory_space<vmem>>) target(%dma_start3A_37 : memref<8x2048xf32, #tpu.memory_space<hbm>>) target_semaphore(%arg11 : memref<!tpu.dma_semaphore, #tpu.memory_space<semaphore_mem>>)
    %mul3A_38 = arith.constant 2 : i32
    %mul3A_39 = arith.muli %mul3A_38, %scan3A_9 : i32
    %add3A_40 = arith.constant 1 : i32
    %add3A_41 = arith.addi %mul3A_39, %add3A_40 : i32
    %mul3A_42 = arith.constant 24 : i32
    %mul3A_43 = arith.muli %add3A_41, %mul3A_42 : i32
    %dma_wait3A_44 = tpu.memref_slice %arg5[%mul3A_43] : memref<48xi32, #tpu.memory_space<vmem>> -> memref<24xi32, #tpu.memory_space<vmem>>
    %dma_wait3A_45 = arith.constant 0 : i32
    %dma_wait3A_46 = arith.constant 0 : i32
    %dma_wait3A_47 = tpu.memref_slice %arg2[%dma_wait3A_45, %dma_wait3A_46] : memref<32768x2048xf32, #tpu.memory_space<hbm>> -> memref<32768x2048xf32, #tpu.memory_space<hbm>>
    tpu.wait_indirect_dma semaphore(%arg10 : memref<!tpu.dma_semaphore, #tpu.memory_space<semaphore_mem>>) src(%dma_wait3A_47 : memref<32768x2048xf32, #tpu.memory_space<hbm>>) dst(%arg7 : memref<24x2048xf32, #tpu.memory_space<vmem>>)
    %lt3A = arith.constant 0 : i32
    %lt3A_48 = arith.cmpi slt, %scan3A_9, %lt3A : i32
    %convert_element_type3A_49 = arith.extui %lt3A_48 : i1 to i32
    %cond3A_50 = arith.constant 0 : i32
    %cond3A_51 = arith.cmpi ne, %convert_element_type3A_49, %cond3A_50 : i32
    scf.if %cond3A_51 {
      %add3A_79 = arith.constant 1 : i32
      %add3A_80 = arith.addi %add3A_41, %add3A_79 : i32
      %mul3A_81 = arith.constant 24 : i32
      %mul3A_82 = arith.muli %add3A_80, %mul3A_81 : i32
      %dma_start3A_83 = tpu.memref_slice %arg5[%mul3A_82] : memref<48xi32, #tpu.memory_space<vmem>> -> memref<24xi32, #tpu.memory_space<vmem>>
      %dma_start3A_84 = arith.constant 0 : i32
      %dma_start3A_85 = arith.constant 0 : i32
      %dma_start3A_86 = tpu.memref_slice %arg2[%dma_start3A_84, %dma_start3A_85] : memref<32768x2048xf32, #tpu.memory_space<hbm>> -> memref<32768x2048xf32, #tpu.memory_space<hbm>>
      tpu.enqueue_indirect_dma source(%dma_start3A_86 : memref<32768x2048xf32, #tpu.memory_space<hbm>>) target(%arg6 : memref<24x2048xf32, #tpu.memory_space<vmem>>) offsets(%dma_start3A_83 : memref<24xi32, #tpu.memory_space<vmem>>) semaphore(%arg9 : memref<!tpu.dma_semaphore, #tpu.memory_space<semaphore_mem>>)
    } else {
    }
    %sub3A = arith.constant 1 : i32
    %sub3A_52 = arith.subi %add3A_41, %sub3A : i32
    %add3A_53 = arith.addi %mul3A_2, %sub3A_52 : i32
    %mul3A_54 = arith.constant 8 : i32
    %mul3A_55 = arith.muli %add3A_53, %mul3A_54 : i32
    %dma_wait3A_56 = arith.constant 0 : i32
    %dma_wait3A_57 = tpu.memref_slice %arg4[%mul3A_55, %dma_wait3A_56] : memref<256x2048xf32, #tpu.memory_space<hbm>> -> memref<8x2048xf32, #tpu.memory_space<hbm>>
    %dma_wait3A_58 = arith.constant 0 : i32
    %dma_wait3A_59 = tpu.memref_slice %arg4[%mul3A_55, %dma_wait3A_58] : memref<256x2048xf32, #tpu.memory_space<hbm>> -> memref<8x2048xf32, #tpu.memory_space<hbm>>
    tpu.wait_dma2 semaphore(%arg11 : memref<!tpu.dma_semaphore, #tpu.memory_space<semaphore_mem>>) src(%arg8 : memref<8x2048xf32, #tpu.memory_space<vmem>>) dst(%dma_wait3A_59 : memref<8x2048xf32, #tpu.memory_space<hbm>>)
    %parallel_loop3A_60 = arith.constant 0 : i32
    %parallel_loop3A_61 = arith.constant 2048 : i32
    %parallel_loop3A_62 = arith.constant 16 : i32
    scf.for %parallel_loop3A_79 = %parallel_loop3A_60 to %parallel_loop3A_61 step %parallel_loop3A_62  : i32 {
      %parallel_loop3A_80 = arith.constant 0 : i32
      %parallel_loop3A_81 = arith.index_cast %parallel_loop3A_80 : i32 to index
      %parallel_loop3A_82 = arith.index_cast %parallel_loop3A_79 : i32 to index
      %parallel_loop3A_83 = tpu.vector_load %arg7[%parallel_loop3A_81, %parallel_loop3A_82] {strides = array<i32>} : memref<24x2048xf32, #tpu.memory_space<vmem>>, vector<1x16xf32>,
      %parallel_loop3A_84 = vector.shape_cast %parallel_loop3A_83 : vector<1x16xf32> to vector<16xf32>
      %parallel_loop3A_85 = arith.constant 8 : i32
      %parallel_loop3A_86 = arith.index_cast %parallel_loop3A_85 : i32 to index
      %parallel_loop3A_87 = arith.index_cast %parallel_loop3A_79 : i32 to index
      %parallel_loop3A_88 = tpu.vector_load %arg7[%parallel_loop3A_86, %parallel_loop3A_87] {strides = array<i32>} : memref<24x2048xf32, #tpu.memory_space<vmem>>, vector<1x16xf32>,
      %parallel_loop3A_89 = vector.shape_cast %parallel_loop3A_88 : vector<1x16xf32> to vector<16xf32>
      %parallel_loop3A_90 = arith.addf %parallel_loop3A_84, %parallel_loop3A_89 : vector<16xf32>
      %parallel_loop3A_91 = arith.constant 16 : i32
      %parallel_loop3A_92 = arith.index_cast %parallel_loop3A_91 : i32 to index
      %parallel_loop3A_93 = arith.index_cast %parallel_loop3A_79 : i32 to index
      %parallel_loop3A_94 = tpu.vector_load %arg7[%parallel_loop3A_92, %parallel_loop3A_93] {strides = array<i32>} : memref<24x2048xf32, #tpu.memory_space<vmem>>, vector<1x16xf32>,
      %parallel_loop3A_95 = vector.shape_cast %parallel_loop3A_94 : vector<1x16xf32> to vector<16xf32>
      %parallel_loop3A_96 = arith.addf %parallel_loop3A_90, %parallel_loop3A_95 : vector<16xf32>
      %parallel_loop3A_97 = arith.constant 0.333333343 : f32
      %parallel_loop3A_98 = vector.broadcast %parallel_loop3A_97 : f32 to vector<16xf32>
      %parallel_loop3A_99 = arith.mulf %parallel_loop3A_96, %parallel_loop3A_98 : vector<16xf32>
      %parallel_loop3A_100 = arith.constant 0 : i32
      %parallel_loop3A_101 = arith.index_cast %parallel_loop3A_100 : i32 to index
      %parallel_loop3A_102 = arith.index_cast %parallel_loop3A_79 : i32 to index
      %parallel_loop3A_103 = tpu.vector_load %arg8[%parallel_loop3A_101, %parallel_loop3A_102] {strides = array<i32>} : memref<8x2048xf32, #tpu.memory_space<vmem>>, vector<1x16xf32>,
      %parallel_loop3A_104 = vector.shape_cast %parallel_loop3A_103 : vector<1x16xf32> to vector<16xf32>
      %parallel_loop3A_105 = vector.shape_cast %parallel_loop3A_99 : vector<16xf32> to vector<1x16xf32>
      tpu.vector_store %arg8[%parallel_loop3A_101, %parallel_loop3A_102], %parallel_loop3A_105 {strides = array<i32>} : memref<8x2048xf32, #tpu.memory_space<vmem>>, vector<1x16xf32>,
      %parallel_loop3A_106 = arith.constant 1 : i32
      %parallel_loop3A_107 = arith.index_cast %parallel_loop3A_106 : i32 to index
      %parallel_loop3A_108 = arith.index_cast %parallel_loop3A_79 : i32 to index
      %parallel_loop3A_109 = tpu.vector_load %arg7[%parallel_loop3A_107, %parallel_loop3A_108] {strides = array<i32>} : memref<24x2048xf32, #tpu.memory_space<vmem>>, vector<1x16xf32>,
      %parallel_loop3A_110 = vector.shape_cast %parallel_loop3A_109 : vector<1x16xf32> to vector<16xf32>
      %parallel_loop3A_111 = arith.constant 9 : i32
      %parallel_loop3A_112 = arith.index_cast %parallel_loop3A_111 : i32 to index
      %parallel_loop3A_113 = arith.index_cast %parallel_loop3A_79 : i32 to index
      %parallel_loop3A_114 = tpu.vector_load %arg7[%parallel_loop3A_112, %parallel_loop3A_113] {strides = array<i32>} : memref<24x2048xf32, #tpu.memory_space<vmem>>, vector<1x16xf32>,
      %parallel_loop3A_115 = vector.shape_cast %parallel_loop3A_114 : vector<1x16xf32> to vector<16xf32>
      %parallel_loop3A_116 = arith.addf %parallel_loop3A_110, %parallel_loop3A_115 : vector<16xf32>
      %parallel_loop3A_117 = arith.constant 17 : i32
      %parallel_loop3A_118 = arith.index_cast %parallel_loop3A_117 : i32 to index
      %parallel_loop3A_119 = arith.index_cast %parallel_loop3A_79 : i32 to index
      %parallel_loop3A_120 = tpu.vector_load %arg7[%parallel_loop3A_118, %parallel_loop3A_119] {strides = array<i32>} : memref<24x2048xf32, #tpu.memory_space<vmem>>, vector<1x16xf32>,
      %parallel_loop3A_121 = vector.shape_cast %parallel_loop3A_120 : vector<1x16xf32> to vector<16xf32>
      %parallel_loop3A_122 = arith.addf %parallel_loop3A_116, %parallel_loop3A_121 : vector<16xf32>
      %parallel_loop3A_123 = arith.constant 0.333333343 : f32
      %parallel_loop3A_124 = vector.broadcast %parallel_loop3A_123 : f32 to vector<16xf32>
      %parallel_loop3A_125 = arith.mulf %parallel_loop3A_122, %parallel_loop3A_124 : vector<16xf32>
      %parallel_loop3A_126 = arith.constant 1 : i32
      %parallel_loop3A_127 = arith.index_cast %parallel_loop3A_126 : i32 to index
      %parallel_loop3A_128 = arith.index_cast %parallel_loop3A_79 : i32 to index
      %parallel_loop3A_129 = tpu.vector_load %arg8[%parallel_loop3A_127, %parallel_loop3A_128] {strides = array<i32>} : memref<8x2048xf32, #tpu.memory_space<vmem>>, vector<1x16xf32>,
      %parallel_loop3A_130 = vector.shape_cast %parallel_loop3A_129 : vector<1x16xf32> to vector<16xf32>
      %parallel_loop3A_131 = vector.shape_cast %parallel_loop3A_125 : vector<16xf32> to vector<1x16xf32>
      tpu.vector_store %arg8[%parallel_loop3A_127, %parallel_loop3A_128], %parallel_loop3A_131 {strides = array<i32>} : memref<8x2048xf32, #tpu.memory_space<vmem>>, vector<1x16xf32>,
      %parallel_loop3A_132 = arith.constant 2 : i32
      %parallel_loop3A_133 = arith.index_cast %parallel_loop3A_132 : i32 to index
      %parallel_loop3A_134 = arith.index_cast %parallel_loop3A_79 : i32 to index
      %parallel_loop3A_135 = tpu.vector_load %arg7[%parallel_loop3A_133, %parallel_loop3A_134] {strides = array<i32>} : memref<24x2048xf32, #tpu.memory_space<vmem>>, vector<1x16xf32>,
      %parallel_loop3A_136 = vector.shape_cast %parallel_loop3A_135 : vector<1x16xf32> to vector<16xf32>
      %parallel_loop3A_137 = arith.constant 10 : i32
      %parallel_loop3A_138 = arith.index_cast %parallel_loop3A_137 : i32 to index
      %parallel_loop3A_139 = arith.index_cast %parallel_loop3A_79 : i32 to index
      %parallel_loop3A_140 = tpu.vector_load %arg7[%parallel_loop3A_138, %parallel_loop3A_139] {strides = array<i32>} : memref<24x2048xf32, #tpu.memory_space<vmem>>, vector<1x16xf32>,
      %parallel_loop3A_141 = vector.shape_cast %parallel_loop3A_140 : vector<1x16xf32> to vector<16xf32>
      %parallel_loop3A_142 = arith.addf %parallel_loop3A_136, %parallel_loop3A_141 : vector<16xf32>
      %parallel_loop3A_143 = arith.constant 18 : i32
      %parallel_loop3A_144 = arith.index_cast %parallel_loop3A_143 : i32 to index
      %parallel_loop3A_145 = arith.index_cast %parallel_loop3A_79 : i32 to index
      %parallel_loop3A_146 = tpu.vector_load %arg7[%parallel_loop3A_144, %parallel_loop3A_145] {strides = array<i32>} : memref<24x2048xf32, #tpu.memory_space<vmem>>, vector<1x16xf32>,
      %parallel_loop3A_147 = vector.shape_cast %parallel_loop3A_146 : vector<1x16xf32> to vector<16xf32>
      %parallel_loop3A_148 = arith.addf %parallel_loop3A_142, %parallel_loop3A_147 : vector<16xf32>
      %parallel_loop3A_149 = arith.constant 0.333333343 : f32
      %parallel_loop3A_150 = vector.broadcast %parallel_loop3A_149 : f32 to vector<16xf32>
      %parallel_loop3A_151 = arith.mulf %parallel_loop3A_148, %parallel_loop3A_150 : vector<16xf32>
      %parallel_loop3A_152 = arith.constant 2 : i32
      %parallel_loop3A_153 = arith.index_cast %parallel_loop3A_152 : i32 to index
      %parallel_loop3A_154 = arith.index_cast %parallel_loop3A_79 : i32 to index
      %parallel_loop3A_155 = tpu.vector_load %arg8[%parallel_loop3A_153, %parallel_loop3A_154] {strides = array<i32>} : memref<8x2048xf32, #tpu.memory_space<vmem>>, vector<1x16xf32>,
      %parallel_loop3A_156 = vector.shape_cast %parallel_loop3A_155 : vector<1x16xf32> to vector<16xf32>
      %parallel_loop3A_157 = vector.shape_cast %parallel_loop3A_151 : vector<16xf32> to vector<1x16xf32>
      tpu.vector_store %arg8[%parallel_loop3A_153, %parallel_loop3A_154], %parallel_loop3A_157 {strides = array<i32>} : memref<8x2048xf32, #tpu.memory_space<vmem>>, vector<1x16xf32>,
      %parallel_loop3A_158 = arith.constant 3 : i32
      %parallel_loop3A_159 = arith.index_cast %parallel_loop3A_158 : i32 to index
      %parallel_loop3A_160 = arith.index_cast %parallel_loop3A_79 : i32 to index
      %parallel_loop3A_161 = tpu.vector_load %arg7[%parallel_loop3A_159, %parallel_loop3A_160] {strides = array<i32>} : memref<24x2048xf32, #tpu.memory_space<vmem>>, vector<1x16xf32>,
      %parallel_loop3A_162 = vector.shape_cast %parallel_loop3A_161 : vector<1x16xf32> to vector<16xf32>
      %parallel_loop3A_163 = arith.constant 11 : i32
      %parallel_loop3A_164 = arith.index_cast %parallel_loop3A_163 : i32 to index
      %parallel_loop3A_165 = arith.index_cast %parallel_loop3A_79 : i32 to index
      %parallel_loop3A_166 = tpu.vector_load %arg7[%parallel_loop3A_164, %parallel_loop3A_165] {strides = array<i32>} : memref<24x2048xf32, #tpu.memory_space<vmem>>, vector<1x16xf32>,
      %parallel_loop3A_167 = vector.shape_cast %parallel_loop3A_166 : vector<1x16xf32> to vector<16xf32>
      %parallel_loop3A_168 = arith.addf %parallel_loop3A_162, %parallel_loop3A_167 : vector<16xf32>
      %parallel_loop3A_169 = arith.constant 19 : i32
      %parallel_loop3A_170 = arith.index_cast %parallel_loop3A_169 : i32 to index
      %parallel_loop3A_171 = arith.index_cast %parallel_loop3A_79 : i32 to index
      %parallel_loop3A_172 = tpu.vector_load %arg7[%parallel_loop3A_170, %parallel_loop3A_171] {strides = array<i32>} : memref<24x2048xf32, #tpu.memory_space<vmem>>, vector<1x16xf32>,
      %parallel_loop3A_173 = vector.shape_cast %parallel_loop3A_172 : vector<1x16xf32> to vector<16xf32>
      %parallel_loop3A_174 = arith.addf %parallel_loop3A_168, %parallel_loop3A_173 : vector<16xf32>
      %parallel_loop3A_175 = arith.constant 0.333333343 : f32
      %parallel_loop3A_176 = vector.broadcast %parallel_loop3A_175 : f32 to vector<16xf32>
      %parallel_loop3A_177 = arith.mulf %parallel_loop3A_174, %parallel_loop3A_176 : vector<16xf32>
      %parallel_loop3A_178 = arith.constant 3 : i32
      %parallel_loop3A_179 = arith.index_cast %parallel_loop3A_178 : i32 to index
      %parallel_loop3A_180 = arith.index_cast %parallel_loop3A_79 : i32 to index
      %parallel_loop3A_181 = tpu.vector_load %arg8[%parallel_loop3A_179, %parallel_loop3A_180] {strides = array<i32>} : memref<8x2048xf32, #tpu.memory_space<vmem>>, vector<1x16xf32>,
      %parallel_loop3A_182 = vector.shape_cast %parallel_loop3A_181 : vector<1x16xf32> to vector<16xf32>
      %parallel_loop3A_183 = vector.shape_cast %parallel_loop3A_177 : vector<16xf32> to vector<1x16xf32>
      tpu.vector_store %arg8[%parallel_loop3A_179, %parallel_loop3A_180], %parallel_loop3A_183 {strides = array<i32>} : memref<8x2048xf32, #tpu.memory_space<vmem>>, vector<1x16xf32>,
      %parallel_loop3A_184 = arith.constant 4 : i32
      %parallel_loop3A_185 = arith.index_cast %parallel_loop3A_184 : i32 to index
      %parallel_loop3A_186 = arith.index_cast %parallel_loop3A_79 : i32 to index
      %parallel_loop3A_187 = tpu.vector_load %arg7[%parallel_loop3A_185, %parallel_loop3A_186] {strides = array<i32>} : memref<24x2048xf32, #tpu.memory_space<vmem>>, vector<1x16xf32>,
      %parallel_loop3A_188 = vector.shape_cast %parallel_loop3A_187 : vector<1x16xf32> to vector<16xf32>
      %parallel_loop3A_189 = arith.constant 12 : i32
      %parallel_loop3A_190 = arith.index_cast %parallel_loop3A_189 : i32 to index
      %parallel_loop3A_191 = arith.index_cast %parallel_loop3A_79 : i32 to index
      %parallel_loop3A_192 = tpu.vector_load %arg7[%parallel_loop3A_190, %parallel_loop3A_191] {strides = array<i32>} : memref<24x2048xf32, #tpu.memory_space<vmem>>, vector<1x16xf32>,
      %parallel_loop3A_193 = vector.shape_cast %parallel_loop3A_192 : vector<1x16xf32> to vector<16xf32>
      %parallel_loop3A_194 = arith.addf %parallel_loop3A_188, %parallel_loop3A_193 : vector<16xf32>
      %parallel_loop3A_195 = arith.constant 20 : i32
      %parallel_loop3A_196 = arith.index_cast %parallel_loop3A_195 : i32 to index
      %parallel_loop3A_197 = arith.index_cast %parallel_loop3A_79 : i32 to index
      %parallel_loop3A_198 = tpu.vector_load %arg7[%parallel_loop3A_196, %parallel_loop3A_197] {strides = array<i32>} : memref<24x2048xf32, #tpu.memory_space<vmem>>, vector<1x16xf32>,
      %parallel_loop3A_199 = vector.shape_cast %parallel_loop3A_198 : vector<1x16xf32> to vector<16xf32>
      %parallel_loop3A_200 = arith.addf %parallel_loop3A_194, %parallel_loop3A_199 : vector<16xf32>
      %parallel_loop3A_201 = arith.constant 0.333333343 : f32
      %parallel_loop3A_202 = vector.broadcast %parallel_loop3A_201 : f32 to vector<16xf32>
      %parallel_loop3A_203 = arith.mulf %parallel_loop3A_200, %parallel_loop3A_202 : vector<16xf32>
      %parallel_loop3A_204 = arith.constant 4 : i32
      %parallel_loop3A_205 = arith.index_cast %parallel_loop3A_204 : i32 to index
      %parallel_loop3A_206 = arith.index_cast %parallel_loop3A_79 : i32 to index
      %parallel_loop3A_207 = tpu.vector_load %arg8[%parallel_loop3A_205, %parallel_loop3A_206] {strides = array<i32>} : memref<8x2048xf32, #tpu.memory_space<vmem>>, vector<1x16xf32>,
      %parallel_loop3A_208 = vector.shape_cast %parallel_loop3A_207 : vector<1x16xf32> to vector<16xf32>
      %parallel_loop3A_209 = vector.shape_cast %parallel_loop3A_203 : vector<16xf32> to vector<1x16xf32>
      tpu.vector_store %arg8[%parallel_loop3A_205, %parallel_loop3A_206], %parallel_loop3A_209 {strides = array<i32>} : memref<8x2048xf32, #tpu.memory_space<vmem>>, vector<1x16xf32>,
      %parallel_loop3A_210 = arith.constant 5 : i32
      %parallel_loop3A_211 = arith.index_cast %parallel_loop3A_210 : i32 to index
      %parallel_loop3A_212 = arith.index_cast %parallel_loop3A_79 : i32 to index
      %parallel_loop3A_213 = tpu.vector_load %arg7[%parallel_loop3A_211, %parallel_loop3A_212] {strides = array<i32>} : memref<24x2048xf32, #tpu.memory_space<vmem>>, vector<1x16xf32>,
      %parallel_loop3A_214 = vector.shape_cast %parallel_loop3A_213 : vector<1x16xf32> to vector<16xf32>
      %parallel_loop3A_215 = arith.constant 13 : i32
      %parallel_loop3A_216 = arith.index_cast %parallel_loop3A_215 : i32 to index
      %parallel_loop3A_217 = arith.index_cast %parallel_loop3A_79 : i32 to index
      %parallel_loop3A_218 = tpu.vector_load %arg7[%parallel_loop3A_216, %parallel_loop3A_217] {strides = array<i32>} : memref<24x2048xf32, #tpu.memory_space<vmem>>, vector<1x16xf32>,
      %parallel_loop3A_219 = vector.shape_cast %parallel_loop3A_218 : vector<1x16xf32> to vector<16xf32>
      %parallel_loop3A_220 = arith.addf %parallel_loop3A_214, %parallel_loop3A_219 : vector<16xf32>
      %parallel_loop3A_221 = arith.constant 21 : i32
      %parallel_loop3A_222 = arith.index_cast %parallel_loop3A_221 : i32 to index
      %parallel_loop3A_223 = arith.index_cast %parallel_loop3A_79 : i32 to index
      %parallel_loop3A_224 = tpu.vector_load %arg7[%parallel_loop3A_222, %parallel_loop3A_223] {strides = array<i32>} : memref<24x2048xf32, #tpu.memory_space<vmem>>, vector<1x16xf32>,
      %parallel_loop3A_225 = vector.shape_cast %parallel_loop3A_224 : vector<1x16xf32> to vector<16xf32>
      %parallel_loop3A_226 = arith.addf %parallel_loop3A_220, %parallel_loop3A_225 : vector<16xf32>
      %parallel_loop3A_227 = arith.constant 0.333333343 : f32
      %parallel_loop3A_228 = vector.broadcast %parallel_loop3A_227 : f32 to vector<16xf32>
      %parallel_loop3A_229 = arith.mulf %parallel_loop3A_226, %parallel_loop3A_228 : vector<16xf32>
      %parallel_loop3A_230 = arith.constant 5 : i32
      %parallel_loop3A_231 = arith.index_cast %parallel_loop3A_230 : i32 to index
      %parallel_loop3A_232 = arith.index_cast %parallel_loop3A_79 : i32 to index
      %parallel_loop3A_233 = tpu.vector_load %arg8[%parallel_loop3A_231, %parallel_loop3A_232] {strides = array<i32>} : memref<8x2048xf32, #tpu.memory_space<vmem>>, vector<1x16xf32>,
      %parallel_loop3A_234 = vector.shape_cast %parallel_loop3A_233 : vector<1x16xf32> to vector<16xf32>
      %parallel_loop3A_235 = vector.shape_cast %parallel_loop3A_229 : vector<16xf32> to vector<1x16xf32>
      tpu.vector_store %arg8[%parallel_loop3A_231, %parallel_loop3A_232], %parallel_loop3A_235 {strides = array<i32>} : memref<8x2048xf32, #tpu.memory_space<vmem>>, vector<1x16xf32>,
      %parallel_loop3A_236 = arith.constant 6 : i32
      %parallel_loop3A_237 = arith.index_cast %parallel_loop3A_236 : i32 to index
      %parallel_loop3A_238 = arith.index_cast %parallel_loop3A_79 : i32 to index
      %parallel_loop3A_239 = tpu.vector_load %arg7[%parallel_loop3A_237, %parallel_loop3A_238] {strides = array<i32>} : memref<24x2048xf32, #tpu.memory_space<vmem>>, vector<1x16xf32>,
      %parallel_loop3A_240 = vector.shape_cast %parallel_loop3A_239 : vector<1x16xf32> to vector<16xf32>
      %parallel_loop3A_241 = arith.constant 14 : i32
      %parallel_loop3A_242 = arith.index_cast %parallel_loop3A_241 : i32 to index
      %parallel_loop3A_243 = arith.index_cast %parallel_loop3A_79 : i32 to index
      %parallel_loop3A_244 = tpu.vector_load %arg7[%parallel_loop3A_242, %parallel_loop3A_243] {strides = array<i32>} : memref<24x2048xf32, #tpu.memory_space<vmem>>, vector<1x16xf32>,
      %parallel_loop3A_245 = vector.shape_cast %parallel_loop3A_244 : vector<1x16xf32> to vector<16xf32>
      %parallel_loop3A_246 = arith.addf %parallel_loop3A_240, %parallel_loop3A_245 : vector<16xf32>
      %parallel_loop3A_247 = arith.constant 22 : i32
      %parallel_loop3A_248 = arith.index_cast %parallel_loop3A_247 : i32 to index
      %parallel_loop3A_249 = arith.index_cast %parallel_loop3A_79 : i32 to index
      %parallel_loop3A_250 = tpu.vector_load %arg7[%parallel_loop3A_248, %parallel_loop3A_249] {strides = array<i32>} : memref<24x2048xf32, #tpu.memory_space<vmem>>, vector<1x16xf32>,
      %parallel_loop3A_251 = vector.shape_cast %parallel_loop3A_250 : vector<1x16xf32> to vector<16xf32>
      %parallel_loop3A_252 = arith.addf %parallel_loop3A_246, %parallel_loop3A_251 : vector<16xf32>
      %parallel_loop3A_253 = arith.constant 0.333333343 : f32
      %parallel_loop3A_254 = vector.broadcast %parallel_loop3A_253 : f32 to vector<16xf32>
      %parallel_loop3A_255 = arith.mulf %parallel_loop3A_252, %parallel_loop3A_254 : vector<16xf32>
      %parallel_loop3A_256 = arith.constant 6 : i32
      %parallel_loop3A_257 = arith.index_cast %parallel_loop3A_256 : i32 to index
      %parallel_loop3A_258 = arith.index_cast %parallel_loop3A_79 : i32 to index
      %parallel_loop3A_259 = tpu.vector_load %arg8[%parallel_loop3A_257, %parallel_loop3A_258] {strides = array<i32>} : memref<8x2048xf32, #tpu.memory_space<vmem>>, vector<1x16xf32>,
      %parallel_loop3A_260 = vector.shape_cast %parallel_loop3A_259 : vector<1x16xf32> to vector<16xf32>
      %parallel_loop3A_261 = vector.shape_cast %parallel_loop3A_255 : vector<16xf32> to vector<1x16xf32>
      tpu.vector_store %arg8[%parallel_loop3A_257, %parallel_loop3A_258], %parallel_loop3A_261 {strides = array<i32>} : memref<8x2048xf32, #tpu.memory_space<vmem>>, vector<1x16xf32>,
      %parallel_loop3A_262 = arith.constant 7 : i32
      %parallel_loop3A_263 = arith.index_cast %parallel_loop3A_262 : i32 to index
      %parallel_loop3A_264 = arith.index_cast %parallel_loop3A_79 : i32 to index
      %parallel_loop3A_265 = tpu.vector_load %arg7[%parallel_loop3A_263, %parallel_loop3A_264] {strides = array<i32>} : memref<24x2048xf32, #tpu.memory_space<vmem>>, vector<1x16xf32>,
      %parallel_loop3A_266 = vector.shape_cast %parallel_loop3A_265 : vector<1x16xf32> to vector<16xf32>
      %parallel_loop3A_267 = arith.constant 15 : i32
      %parallel_loop3A_268 = arith.index_cast %parallel_loop3A_267 : i32 to index
      %parallel_loop3A_269 = arith.index_cast %parallel_loop3A_79 : i32 to index
      %parallel_loop3A_270 = tpu.vector_load %arg7[%parallel_loop3A_268, %parallel_loop3A_269] {strides = array<i32>} : memref<24x2048xf32, #tpu.memory_space<vmem>>, vector<1x16xf32>,
      %parallel_loop3A_271 = vector.shape_cast %parallel_loop3A_270 : vector<1x16xf32> to vector<16xf32>
      %parallel_loop3A_272 = arith.addf %parallel_loop3A_266, %parallel_loop3A_271 : vector<16xf32>
      %parallel_loop3A_273 = arith.constant 23 : i32
      %parallel_loop3A_274 = arith.index_cast %parallel_loop3A_273 : i32 to index
      %parallel_loop3A_275 = arith.index_cast %parallel_loop3A_79 : i32 to index
      %parallel_loop3A_276 = tpu.vector_load %arg7[%parallel_loop3A_274, %parallel_loop3A_275] {strides = array<i32>} : memref<24x2048xf32, #tpu.memory_space<vmem>>, vector<1x16xf32>,
      %parallel_loop3A_277 = vector.shape_cast %parallel_loop3A_276 : vector<1x16xf32> to vector<16xf32>
      %parallel_loop3A_278 = arith.addf %parallel_loop3A_272, %parallel_loop3A_277 : vector<16xf32>
      %parallel_loop3A_279 = arith.constant 0.333333343 : f32
      %parallel_loop3A_280 = vector.broadcast %parallel_loop3A_279 : f32 to vector<16xf32>
      %parallel_loop3A_281 = arith.mulf %parallel_loop3A_278, %parallel_loop3A_280 : vector<16xf32>
      %parallel_loop3A_282 = arith.constant 7 : i32
      %parallel_loop3A_283 = arith.index_cast %parallel_loop3A_282 : i32 to index
      %parallel_loop3A_284 = arith.index_cast %parallel_loop3A_79 : i32 to index
      %parallel_loop3A_285 = tpu.vector_load %arg8[%parallel_loop3A_283, %parallel_loop3A_284] {strides = array<i32>} : memref<8x2048xf32, #tpu.memory_space<vmem>>, vector<1x16xf32>,
      %parallel_loop3A_286 = vector.shape_cast %parallel_loop3A_285 : vector<1x16xf32> to vector<16xf32>
      %parallel_loop3A_287 = vector.shape_cast %parallel_loop3A_281 : vector<16xf32> to vector<1x16xf32>
      tpu.vector_store %arg8[%parallel_loop3A_283, %parallel_loop3A_284], %parallel_loop3A_287 {strides = array<i32>} : memref<8x2048xf32, #tpu.memory_space<vmem>>, vector<1x16xf32>,
    } {sc.loop_unroll_factor = 4 : i64, sc.parallel_access}
    %add3A_63 = arith.addi %mul3A_2, %add3A_41 : i32
    %mul3A_64 = arith.constant 8 : i32
    %mul3A_65 = arith.muli %add3A_63, %mul3A_64 : i32
    %dma_start3A_66 = arith.constant 0 : i32
    %dma_start3A_67 = tpu.memref_slice %arg4[%mul3A_65, %dma_start3A_66] : memref<256x2048xf32, #tpu.memory_space<hbm>> -> memref<8x2048xf32, #tpu.memory_space<hbm>>
    %dma_start3A_68 = arith.constant 0 : i32
    %dma_start3A_69 = tpu.memref_slice %arg4[%mul3A_65, %dma_start3A_68] : memref<256x2048xf32, #tpu.memory_space<hbm>> -> memref<8x2048xf32, #tpu.memory_space<hbm>>
    tpu.enqueue_dma source(%arg8 : memref<8x2048xf32, #tpu.memory_space<vmem>>) target(%dma_start3A_69 : memref<8x2048xf32, #tpu.memory_space<hbm>>) target_semaphore(%arg11 : memref<!tpu.dma_semaphore, #tpu.memory_space<semaphore_mem>>)
    %scan3A_70 = arith.constant 1 : i32
    %add3A_71 = arith.constant 1 : i32
    %add3A_72 = arith.addi %mul3A_2, %add3A_71 : i32
    %mul3A_73 = arith.constant 8 : i32
    %mul3A_74 = arith.muli %add3A_72, %mul3A_73 : i32
    %dma_wait3A_75 = arith.constant 0 : i32
    %dma_wait3A_76 = tpu.memref_slice %arg4[%mul3A_74, %dma_wait3A_75] : memref<256x2048xf32, #tpu.memory_space<hbm>> -> memref<8x2048xf32, #tpu.memory_space<hbm>>
    %dma_wait3A_77 = arith.constant 0 : i32
    %dma_wait3A_78 = tpu.memref_slice %arg4[%mul3A_74, %dma_wait3A_77] : memref<256x2048xf32, #tpu.memory_space<hbm>> -> memref<8x2048xf32, #tpu.memory_space<hbm>>
    tpu.wait_dma2 semaphore(%arg11 : memref<!tpu.dma_semaphore, #tpu.memory_space<semaphore_mem>>) src(%arg8 : memref<8x2048xf32, #tpu.memory_space<vmem>>) dst(%dma_wait3A_78 : memref<8x2048xf32, #tpu.memory_space<hbm>>)
    return
  }
}

module attributes {stable_mosaic.version = 14 : i64} {
  func.func @_tc_body(%arg0: i32, %arg1: memref<1xi32, #tpu.memory_space<smem>>, %arg2: memref<4x3xi32, #tpu.memory_space<smem>>, %arg3: memref<1x256x2048xf32, #tpu.memory_space<vmem>>, %arg4: memref<1x256x2048xf32, #tpu.memory_space<vmem>>, %arg5: memref<1x256x2048xf32, #tpu.memory_space<vmem>>, %arg6: memref<256x2048xf32, #tpu.memory_space<vmem>>) attributes {dimension_semantics = [#tpu.dimension_semantics<arbitrary>], iteration_bounds = array<i64: 15>, scalar_prefetch = 2 : i64, scratch_operands = 0 : i64, tpu.core_type = #tpu.core_type<tc>, window_params = [{transform_indices = @transform_0, window_bounds = array<i64: 1, 256, 2048>}, {transform_indices = @transform_1, window_bounds = array<i64: 1, 256, 2048>}, {transform_indices = @transform_2, window_bounds = array<i64: 1, 256, 2048>}, {transform_indices = @transform_3, window_bounds = array<i64: 256, 2048>}]} {
    %get3A = arith.constant 0 : index
    %get3A_0 = arith.constant 0 : index
    %get3A_1 = arith.constant 0 : index
    %get3A_2 = vector.load %arg3[%get3A, %get3A_0, %get3A_1] : memref<1x256x2048xf32, #tpu.memory_space<vmem>>, vector<1x256x2048xf32>
    %get3A_3 = vector.shape_cast %get3A_2 : vector<1x256x2048xf32> to vector<256x2048xf32>
    %get3A_4 = arith.constant 0 : index
    %get3A_5 = arith.constant 0 : index
    %get3A_6 = arith.constant 0 : index
    %get3A_7 = vector.load %arg4[%get3A_4, %get3A_5, %get3A_6] : memref<1x256x2048xf32, #tpu.memory_space<vmem>>, vector<1x256x2048xf32>
    %get3A_8 = vector.shape_cast %get3A_7 : vector<1x256x2048xf32> to vector<256x2048xf32>
    %add3A = arith.addf %get3A_3, %get3A_8 : vector<256x2048xf32>
    %get3A_9 = arith.constant 0 : index
    %get3A_10 = arith.constant 0 : index
    %get3A_11 = arith.constant 0 : index
    %get3A_12 = vector.load %arg5[%get3A_9, %get3A_10, %get3A_11] : memref<1x256x2048xf32, #tpu.memory_space<vmem>>, vector<1x256x2048xf32>
    %get3A_13 = vector.shape_cast %get3A_12 : vector<1x256x2048xf32> to vector<256x2048xf32>
    %add3A_14 = arith.addf %add3A, %get3A_13 : vector<256x2048xf32>
    %mul3A = arith.constant 0.333333343 : f32
    %mul3A_15 = vector.broadcast %mul3A : f32 to vector<256x2048xf32>
    %mul3A_16 = arith.mulf %add3A_14, %mul3A_15 : vector<256x2048xf32>
    %swap3A = arith.constant 0 : index
    %swap3A_17 = arith.constant 0 : index
    %swap3A_18 = vector.load %arg6[%swap3A, %swap3A_17] : memref<256x2048xf32, #tpu.memory_space<vmem>>, vector<256x2048xf32>
    tpu.vector_store %arg6[%swap3A, %swap3A_17], %mul3A_16 {strides = array<i32>} : memref<256x2048xf32, #tpu.memory_space<vmem>>, vector<256x2048xf32>,
    return
  }
  func.func @transform_0(%arg0: i32, %arg1: memref<1xi32, #tpu.memory_space<smem>>, %arg2: memref<4x3xi32, #tpu.memory_space<smem>>) -> (i32, i32, i32) {
    %get3A = arith.constant 0 : index
    %get3A_0 = memref.load %arg1[%get3A] : memref<1xi32, #tpu.memory_space<smem>>
    %get3A_1 = arith.index_cast %get3A_0 : i32 to index
    %get3A_2 = arith.constant 0 : index
    %get3A_3 = memref.load %arg2[%get3A_1, %get3A_2] : memref<4x3xi32, #tpu.memory_space<smem>>
    %c0_i32 = arith.constant 0 : i32
    %c0_i32_4 = arith.constant 0 : i32
    return %get3A_3, %arg0, %c0_i32 : i32, i32, i32
  }
  func.func @transform_1(%arg0: i32, %arg1: memref<1xi32, #tpu.memory_space<smem>>, %arg2: memref<4x3xi32, #tpu.memory_space<smem>>) -> (i32, i32, i32) {
    %get3A = arith.constant 0 : index
    %get3A_0 = memref.load %arg1[%get3A] : memref<1xi32, #tpu.memory_space<smem>>
    %get3A_1 = arith.index_cast %get3A_0 : i32 to index
    %get3A_2 = arith.constant 1 : index
    %get3A_3 = memref.load %arg2[%get3A_1, %get3A_2] : memref<4x3xi32, #tpu.memory_space<smem>>
    %c0_i32 = arith.constant 0 : i32
    %c0_i32_4 = arith.constant 0 : i32
    return %get3A_3, %arg0, %c0_i32 : i32, i32, i32
  }
  func.func @transform_2(%arg0: i32, %arg1: memref<1xi32, #tpu.memory_space<smem>>, %arg2: memref<4x3xi32, #tpu.memory_space<smem>>) -> (i32, i32, i32) {
    %get3A = arith.constant 0 : index
    %get3A_0 = memref.load %arg1[%get3A] : memref<1xi32, #tpu.memory_space<smem>>
    %get3A_1 = arith.index_cast %get3A_0 : i32 to index
    %get3A_2 = arith.constant 2 : index
    %get3A_3 = memref.load %arg2[%get3A_1, %get3A_2] : memref<4x3xi32, #tpu.memory_space<smem>>
    %c0_i32 = arith.constant 0 : i32
    %c0_i32_4 = arith.constant 0 : i32
    return %get3A_3, %arg0, %c0_i32 : i32, i32, i32
  }
  func.func @transform_3(%arg0: i32, %arg1: memref<1xi32, #tpu.memory_space<smem>>, %arg2: memref<4x3xi32, #tpu.memory_space<smem>>) -> (i32, i32) {
    %c0_i32 = arith.constant 0 : i32
    %c0_i32_0 = arith.constant 0 : i32
    return %arg0, %c0_i32 : i32, i32
  }
}

</mosaic_0001>

<sc_bundles>
// kernel: kernel.4.cloned.1.call-start
scs
__scs_entry_jumppad:
0x0: {  	(pc) =	sbr.rel $0x88, $3  }
0x1: {  	(tag) =	ssettag $0x0;
	lr =	simm.s32 $0x1  }
0x2: {  	[smem:$0x3F9F] =	sst lr;
	_ =	strace $0xD0000000  }
0x3: {  	_ = 	snop  }
0x4: {  	_ = 	snop  }
0x5: {  	_ = 	snop  }
0x6: {  	_ = 	snop  }
0x7: {  	_ = 	snop  }
__scs_overlays_trampoline_lowered:
0x8: {  	[smem:$0x3FAE] =	sst s0  }
0x9: {  	[smem:$0x3FAF] =	sst s1  }
0xa: {  	[smem:$0x3FB0] =	sst s2  }
0xb: {  	[smem:$0x3FB1] =	sst s3  }
0xc: {  	[smem:$0x3FB2] =	sst s4  }
0xd: {  	[smem:$0x3FB3] =	sst s5  }
0xe: {  	[smem:$0x3FB4] =	sst s6  }
0xf: {  	[smem:$0x3FB5] =	sst s7  }
0x10: {  	[smem:$0x3FB6] =	sst s8  }
0x11: {  	[smem:$0x3FB7] =	sst s9;
	s0 =	simm.s32 @!p0 $0x0  }
0x12: {  	s1 =	sld [smem:$0x3F9D];
	s0 =	simm.s32 @p0 $0x1  }
0x13: {  	[smem:$0x3FB8] =	sst s0;
	s0 =	simm.s32 @!p1 $0x0  }
0x14: {  	s2 =	sld [smem:$0x3F9C];
	s0 =	simm.s32 @p1 $0x1  }
0x15: {  	[smem:$0x3FB9] =	sst s0;
	s0 =	simm.s32 @!p2 $0x0  }
0x16: {  	s3 =	sld [smem:$0x3FDB];
	s0 =	simm.s32 @p2 $0x1  }
0x17: {  	s4 =	simm.s32 $0x1BF5;
	[smem:$0x3FBB] =	sst s0  }
0x18: {  	s0 =	sld [smem:$0x3F9E];
	_ =	swait.ge [sflag:s4], $0x0  }
0x19: {  	s7 =	sld [smem:$0x3F9F]  }
0x1a: {  	s8 =	sadd.s32 $0xFFFFE003, lr  }
0x1b: {  	s9 =	sadd.s32 $0xFFFFFEF7, lr;
	s5 =	simm.s32 $0xFFFFFFFF;
	p2 =	slt.u32 s8, $0xFFFFF086  }
0x1c: {  	p1 =	slt.u32 s9, $0xF7A;
	s5 =	simm.s32 @!p2 $0x0  }
0x1d: {  	s5 =	simm.s32 @p1 $0x1;
	p0 =	seq.s32 s7, s2  }
0x1e: {  	s7 =	smul.u32 @!p0 $0xF7A, s2;
	p2 =	seq.s32 @!p0 s5, $0x0  }
0x1f: {  	s9 =	smul.u32 $0xF7A, s1;
	s8 =	simm.s32 @!p0 $0x1BF5;
	p2 =	por !p2, p0  }
0x20: {  	[sflag:s8] =	ssyncset.s32 @!p0 $0xFFFFF086;
	s6 =	sadd.s32 @!p0 s3, s7;
	s7 =	simm.s32 @!p0 $0x108  }
0x21: {  	s3 =	sadd.s32 s3, s9;
	s6 =	sadd.s32 @!p0 $0x88, s6;
	s7 =	simm.s32 @p2 $0x1082  }
0x22: {  	[simem:s7], [sflag:s8] =	dma.local @!p0 [hbm:s6], $0xF7A  }
0x23: {  	s9 =	sor.u32 $0xD0000000, s2;
	s6 =	simm.s32 $0x108;
	_ =	swait.ge @!p0 [sflag:s8], $0x0  }
0x24: {  	s3 =	sadd.s32 $0x88, s3;
	s6 =	simm.s32 @!p1 $0x1082;
	[sflag:s4] =	ssyncset.s32 $0xFFFFF086  }
0x25: {  	[simem:s6], [sflag:s4] =	dma.local [hbm:s3], $0xF7A  }
0x26: {  	[smem:$0x3F9F] =	sst s1;
	(tag) =	ssettag s2;
	_ =	strace s9  }
0x27: {  	s1 =	sld [smem:$0x3FAF]  }
0x28: {  	s2 =	sld [smem:$0x3FB0]  }
0x29: {  	s4 =	sld [smem:$0x3FB2]  }
0x2a: {  	p0 =	seq.s32 s5, $0x0;
	s5 =	sld [smem:$0x3FB3]  }
0x2b: {  	s6 =	sld [smem:$0x3FB4]  }
0x2c: {  	s7 =	sld [smem:$0x3FB5]  }
0x2d: {  	s3 =	simm.s32 $0x108;
	s8 =	sld [smem:$0x3FB6]  }
0x2e: {  	s3 =	simm.s32 @!p0 $0x1082;
	s9 =	sld [smem:$0x3FB7]  }
0x2f: {  	lr =	sadd.s32 s0, s3;
	s0 =	sld [smem:$0x3FAE]  }
0x30: {  	s3 =	sld [smem:$0x3FB1]  }
0x31: {  	[smem:$0x3FBA] =	sst s10  }
0x32: {  	s10 =	sld [smem:$0x3FB8];
	_ =	sdelay $0x3  }
0x33: {  	p0 =	seq.s32 s10, $0x1;
	s10 =	sld [smem:$0x3FBA];
	_ =	sdelay $0x3  }
0x34: {  	[smem:$0x3FBA] =	sst s10  }
0x35: {  	s10 =	sld [smem:$0x3FB9];
	_ =	sdelay $0x3  }
0x36: {  	p1 =	seq.s32 s10, $0x1;
	s10 =	sld [smem:$0x3FBA];
	_ =	sdelay $0x3  }
0x37: {  	[smem:$0x3FBA] =	sst s10  }
0x38: {  	s10 =	sld [smem:$0x3FBB]  }
0x39: {  	_ = 	snop;
	(pc) =	sbr.ind lr, $3  }
0x3a: {  	_ = 	snop  }
0x3b: {  	_ = 	snop  }
0x3c: {  	p2 =	seq.s32 s10, $0x1;
	s10 =	sld [smem:$0x3FBA]  }
0x3d: {  	_ =	shalt  }
0x3e: {  	_ =	shalt  }
0x3f: {  	_ =	shalt  }
0x40: {  	_ =	shalt  }
0x41: {  	_ =	shalt  }
0x42: {  	_ =	shalt  }
0x43: {  	_ =	shalt  }
0x44: {  	_ =	shalt  }
0x45: {  	_ =	shalt  }
0x46: {  	_ =	shalt  }
0x47: {  	_ =	shalt  }
0x48: {  	_ =	shalt  }
0x49: {  	_ =	shalt  }
0x4a: {  	_ =	shalt  }
0x4b: {  	_ =	shalt  }
0x4c: {  	_ =	shalt  }
0x4d: {  	_ =	shalt  }
0x4e: {  	_ =	shalt  }
0x4f: {  	_ =	shalt  }
0x50: {  	_ =	shalt  }
0x51: {  	_ =	shalt  }
0x52: {  	_ =	shalt  }
0x53: {  	_ =	shalt  }
0x54: {  	_ =	shalt  }
0x55: {  	_ =	shalt  }
0x56: {  	_ =	shalt  }
0x57: {  	_ =	shalt  }
0x58: {  	_ =	shalt  }
0x59: {  	_ =	shalt  }
0x5a: {  	_ =	shalt  }
0x5b: {  	_ =	shalt  }
0x5c: {  	_ =	shalt  }
0x5d: {  	_ =	shalt  }
0x5e: {  	_ =	shalt  }
0x5f: {  	_ =	shalt  }
0x60: {  	_ =	shalt  }
0x61: {  	_ =	shalt  }
0x62: {  	_ =	shalt  }
0x63: {  	_ =	shalt  }
0x64: {  	_ =	shalt  }
0x65: {  	_ =	shalt  }
0x66: {  	_ =	shalt  }
0x67: {  	_ =	shalt  }
0x68: {  	_ =	shalt  }
0x69: {  	_ =	shalt  }
0x6a: {  	_ =	shalt  }
0x6b: {  	_ =	shalt  }
0x6c: {  	_ =	shalt  }
0x6d: {  	_ =	shalt  }
0x6e: {  	_ =	shalt  }
0x6f: {  	_ =	shalt  }
0x70: {  	_ =	shalt  }
0x71: {  	_ =	shalt  }
0x72: {  	_ =	shalt  }
0x73: {  	_ =	shalt  }
0x74: {  	_ =	shalt  }
0x75: {  	_ =	shalt  }
0x76: {  	_ =	shalt  }
0x77: {  	_ =	shalt  }
0x78: {  	_ =	shalt  }
0x79: {  	_ =	shalt  }
0x7a: {  	_ =	shalt  }
0x7b: {  	_ =	shalt  }
0x7c: {  	_ =	shalt  }
0x7d: {  	_ =	shalt  }
0x7e: {  	_ =	shalt  }
0x7f: {  	_ =	shalt  }
0x80: {  	_ =	shalt  }
0x81: {  	_ =	shalt  }
0x82: {  	_ =	shalt  }
0x83: {  	_ =	shalt  }
0x84: {  	_ =	shalt  }
0x85: {  	_ =	shalt  }
0x86: {  	_ =	shalt  }
0x87: {  	_ =	shalt  }
.Lfunc_end0:
.L_simem_size_0:
called_computation_lowered:
.L_overlay_start_0:
0x88: {  	s0 =	sld [smem:$0x3FD9]  }
0x89: {  	s1 =	sld [smem:$0x3FFE];
	_ =	sdelay $0x3  }
0x8a: {  	s0 =	sadd.s32 s1, s0  }
0x8b: {  	[smem:$0x3FC6] =	sst s0  }
0x8c: {  	_ = 	snop  }
0x8d: {  	s0 =	sld [smem:$0x3FC9];
	(tm) =	ssettm $0x1  }
0x8e: {  	s16 =	sld [smem:$0x3FFB];
	_ =	sdelay $0x3  }
0x8f: {  	_ =	strace s16  }
0x90: {  	s1 =	sld [smem:$0x3FFC];
	_ =	sdelay $0x3  }
0x91: {  	_ =	strace s1  }
0x92: {  	s1 =	sld [smem:$0x3FFD];
	_ =	sdelay $0x3  }
0x93: {  	_ =	strace s1  }
0x94: {  	_ =	strace $0x8FFFFFFF  }
0x95: {  	s17 =	sld [smem:$0x3FDB];
	_ =	sdelay $0x1  }
0x96: {  	s2 =	simm.s32 $_scs_section_size  }
0x97: {  	s3 =	simm.s32 $_size__tile_overlayer_lowered;
	s4 =	simm.s32 $_tile_overlayer_lowered  }
0x98: {  	s20 =	simm.s32 $0x1BFF;
	s19 =	sshll.u32 s4, $0x1;
	s1 =	sadd.s32 s2, s17  }
0x99: {  	s5 =	simm.s32 $0x0;
	s18 =	sshll.u32 s3, $0x1;
	s3 =	sadd.s32 s19, s1  }
0x9a: {  	[timem:s5], [sflag:s20] =	dma.local [hbm:s3], s18  }
0x9b: {  	_ =	swait.ge [sflag:s20], s18  }
0x9c: {  	s2 =	ssub.s32 $0x0, s18;
	[sflag:s20] =	ssyncset.done $0x0  }
0x9d: {  	[sflag:s20] =	ssyncadd.s32 s2;
	_ =	sdelay $0x1  }
0x9e: {  	s21 =	simm.s32 $0x1B8B  }
0x9f: {  	_ =	swait.ge [sflag:s21], $0x1  }
0xa0: {  	[sflag:s21] =	ssyncset.done $0x0  }
0xa1: {  	s23 =	simm.s32 $0x1B8E;
	s22 =	sld [smem:$0x3FFE];
	[sflag:s21] =	ssyncadd.s32 $0xFFFFFFFF  }
0xa2: {  	s24 =	simm.s32 $execute0_lowered;
	[smem:$0x3FD2] =	sst s23  }
0xa3: {  	s3 =	sshll.u32 s24, $0x1;
	_ =	strace $0x80000046;
	[dreg:$0x1] =	wrdreg $0xFFFFFFFF  }
0xa4: {  	s25 =	simm.s32 $_size_execute0_lowered;
	s1 =	sadd.s32 s1, s3;
	[dreg:$0x0] =	wrdreg $0x0  }
0xa5: {  	s3 =	sshll.u32 s25, $0x1;
	[dreg:$0x2] =	wrdreg s1  }
0xa6: {  	[dreg:$0x3] =	wrdreg s3  }
0xa7: {  	[dreg:$0x4] =	wrdreg $0xC0  }
0xa8: {  	_ =	task [dreg:s5], $0x5FFFF  }
0xa9: {  	[dreg:$0x1] =	wrdreg $0xFFFFFFFF  }
0xaa: {  	[dreg:$0x0] =	wrdreg $0x60  }
0xab: {  	[dreg:$0x2] =	wrdreg s0  }
0xac: {  	[dreg:$0x3] =	wrdreg s22  }
0xad: {  	[dreg:$0x4] =	wrdreg $0x9  }
0xae: {  	_ =	task.clear_ibuf [dreg:s5], $0x5FFFF;
	_ =	strace $0x90000046  }
0xaf: {  	s26 =	simm.s32 $0x9;
	_ =	strace $0x80000048  }
0xb0: {  	_ =	swait.ge [sflag:s26], $0x1  }
0xb1: {  	[sflag:s26] =	ssyncadd.s32 $0xFFFFFFFF  }
0xb2: {  	_ =	strace $0x90000048  }
0xb3: {  	_ =	sfence  }
0xb4: {  	s28 =	sld [smem:$0x0];
	_ =	sdelay $0x1  }
0xb5: {  	s29 =	srdreg.scid  }
0xb6: {  	s30 =	sshll.u32 s29, $0xD;
	s31 =	sshrl.u32 s29, $0x2  }
0xb7: {  	s2 =	sand.u32 $0x4000, s30;
	s1 =	sand.u32 $0x1, s29;
	s0 =	sadd.s32 s31, s28  }
0xb8: {  	s1 =	sor.u32 s2, s1;
	s0 =	sshll.u32 s0, $0x11  }
0xb9: {  	s0 =	sor.u32 s0, s1  }
0xba: {  	s0 =	sadd.s32 $0x8F2B, s0  }
0xbb: {  	[sflag:s0] =	ssyncadd.remote.s32 $0x1  }
0xbc: {  	_ =	sfence.sel $0xFFFF  }
0xbd: {  	[dreg:$0x0] =	wrdreg $0xFFFFFFFF;
	(pc) =	sbr.abs _section_cstart, $3  }
0xbe: {  	[dreg:$0x1] =	wrdreg $0xFFFFFFFF  }
0xbf: {  	_ =	task.clear_ibuf [dreg:s5], $0x2FFFF;
	_ =	strace $0x9FFFFFFF  }
0xc0: {  	(tm) =	ssettm $0x7FFFFFFF  }
0xc1: {  	_ =	shalt  }
tec
execute0_lowered:
.L_overlay_start_1:
0x0: {  	(tag) =	ssettag $0x1  }
0x1: {  	s0 =	stileid.u32  }
0x2: {  	s4 =	rddreg [dreg:$0x0];
	s0 =	smul.u32 $0x6, s0  }
0x3: {  	s1 =	rddreg [dreg:$0x1];
	s3 =	simm.s32 $0x0  }
0x4: {  	[smem:$0x7FF] =	sst s3;
	s0 =	sadd.s32 s0, s1  }
0x5: {  	s11 =	simm.s32 $0x4;
	_ =	strace $0x80000047;
	s0 =	sadd.s32 $0x400, s0  }
0x6: {  	[tilespmem:s3], [sflag:$0x4] =	stream.linear.gather [hbm4b:s0+s3], $0x30, $0x38;
	[tilespmem:$0x1C080] =	vst v63  }
0x7: {  	_ =	swait.ge [sflag:s11], $0x30  }
0x8: {  	[sflag:s11] =	ssyncset.done $0x0  }
0x9: {  	[sflag:s11] =	ssyncadd.s32 $0xFFFFFFD0  }
0xa: {  	v0 =	vld [tilespmem:$0x0];
	_ =	sdelay $0x4  }
0xb: {  	v1 =	vshll.u32 v0, $0x4  }
0xc: {  	v2 =	vlaneseq.u32;
	v0 =	vand.u32 $0x7, v0;
	v1 =	vand.u32 $0xFFFFFF80, v1  }
0xd: {  	v3 =	vshrl.u32 v2, $0x3;
	v0 =	vor.u32 v0, v1;
	v1 =	vand.u32 $0x7, v2  }
0xe: {  	v3 =	vmul.u32 $0x8, v3;
	v4 =	vperm.xlane v0, v1;
	_ =	sdelay $0x1  }
0xf: {  	v4 =	vadd.s32 v3, v4;
	_ =	sdelay $0x3  }
0x10: {  	vm0 =	vmmov $0xffff;
	s12 =	simm.s32 $0x80  }
0x11: {  	[tilespmem:s12], [sflag:$0x1] =	stream.indirect_vreg.gather [hbm4b:s4+s3], $0x80, v4, vm0, $0xb8;
	[tilespmem:$0x1C080] =	vst v63  }
0x12: {  	s13 =	simm.s32 $0x880;
	s1 =	sadd.s32 $0x100, s4  }
0x13: {  	[tilespmem:s13], [sflag:$0x1] =	stream.indirect_vreg.gather [hbm4b:s1+s3], $0x80, v4, vm0, $0xb8;
	[tilespmem:$0x1C080] =	vst v63  }
0x14: {  	s5 =	simm.s32 $0x1080;
	s0 =	sadd.s32 $0x200, s4  }
0x15: {  	[tilespmem:s5], [sflag:$0x1] =	stream.indirect_vreg.gather [hbm4b:s0+s3], $0x80, v4, vm0, $0xb8;
	[tilespmem:$0x1C080] =	vst v63  }
0x16: {  	s6 =	simm.s32 $0x1880;
	s5 =	sadd.s32 $0x300, s4  }
0x17: {  	[tilespmem:s6], [sflag:$0x1] =	stream.indirect_vreg.gather [hbm4b:s5+s3], $0x80, v4, vm0, $0xb8;
	[tilespmem:$0x1C080] =	vst v63  }
0x18: {  	s7 =	simm.s32 $0x2080;
	s6 =	sadd.s32 $0x400, s4  }
0x19: {  	v2 =	vor.u32 $0x8, v2;
	[tilespmem:s7], [sflag:$0x1] =	stream.indirect_vreg.gather [hbm4b:s6+s3], $0x80, v4, vm0, $0xb8;
	[tilespmem:$0x1C080] =	vst v63  }
0x1a: {  	s8 =	simm.s32 $0x2880;
	v0 =	vperm.xlane v0, v2;
	s7 =	sadd.s32 $0x500, s4  }
0x1b: {  	[tilespmem:s8], [sflag:$0x1] =	stream.indirect_vreg.gather [hbm4b:s7+s3], $0x80, v4, vm0, $0xb8;
	[tilespmem:$0x1C080] =	vst v63  }
0x1c: {  	s14 =	simm.s32 $0x3080;
	s9 =	sadd.s32 $0x600, s4;
	v0 =	vadd.s32 v3, v0  }
0x1d: {  	[tilespmem:s14], [sflag:$0x1] =	stream.indirect_vreg.gather [hbm4b:s9+s3], $0x80, v4, vm0, $0xb8;
	[tilespmem:$0x1C080] =	vst v63  }
0x1e: {  	s15 =	simm.s32 $0x3880;
	s10 =	sadd.s32 $0x700, s4  }
0x1f: {  	[tilespmem:s15], [sflag:$0x1] =	stream.indirect_vreg.gather [hbm4b:s10+s3], $0x80, v4, vm0, $0xb8;
	[tilespmem:$0x1C080] =	vst v63  }
0x20: {  	s16 =	simm.s32 $0x4080  }
0x21: {  	[tilespmem:s16], [sflag:$0x1] =	stream.indirect_vreg.gather [hbm4b:s4+s3], $0x80, v0, vm0, $0xb8;
	[tilespmem:$0x1C080] =	vst v63  }
0x22: {  	s17 =	simm.s32 $0x4880  }
0x23: {  	[tilespmem:s17], [sflag:$0x1] =	stream.indirect_vreg.gather [hbm4b:s1+s3], $0x80, v0, vm0, $0xb8;
	[tilespmem:$0x1C080] =	vst v63  }
0x24: {  	s18 =	simm.s32 $0x5080  }
0x25: {  	[tilespmem:s18], [sflag:$0x1] =	stream.indirect_vreg.gather [hbm4b:s0+s3], $0x80, v0, vm0, $0xb8;
	[tilespmem:$0x1C080] =	vst v63  }
0x26: {  	s19 =	simm.s32 $0x5880  }
0x27: {  	[tilespmem:s19], [sflag:$0x1] =	stream.indirect_vreg.gather [hbm4b:s5+s3], $0x80, v0, vm0, $0xb8;
	[tilespmem:$0x1C080] =	vst v63  }
0x28: {  	s20 =	simm.s32 $0x6080  }
0x29: {  	[tilespmem:s20], [sflag:$0x1] =	stream.indirect_vreg.gather [hbm4b:s6+s3], $0x80, v0, vm0, $0xb8;
	[tilespmem:$0x1C080] =	vst v63  }
0x2a: {  	s21 =	simm.s32 $0x6880  }
0x2b: {  	[tilespmem:s21], [sflag:$0x1] =	stream.indirect_vreg.gather [hbm4b:s7+s3], $0x80, v0, vm0, $0xb8;
	[tilespmem:$0x1C080] =	vst v63  }
0x2c: {  	s22 =	simm.s32 $0x7080  }
0x2d: {  	[tilespmem:s22], [sflag:$0x1] =	stream.indirect_vreg.gather [hbm4b:s9+s3], $0x80, v0, vm0, $0xb8;
	[tilespmem:$0x1C080] =	vst v63  }
0x2e: {  	s23 =	simm.s32 $0x7880  }
0x2f: {  	[tilespmem:s23], [sflag:$0x1] =	stream.indirect_vreg.gather [hbm4b:s10+s3], $0x80, v0, vm0, $0xb8;
	[tilespmem:$0x1C080] =	vst v63  }
0x30: {  	v0 =	vld.msk [tilespmem:$0x10], $0xff;
	_ =	sdelay $0x4  }
0x31: {  	v4 =	vshll.u32 v0, $0x4  }
0x32: {  	v0 =	vand.u32 $0x7, v0;
	v4 =	vand.u32 $0xFFFFFF80, v4  }
0x33: {  	v0 =	vor.u32 v0, v4  }
0x34: {  	v0 =	vperm.xlane v0, v1;
	_ =	sdelay $0x1  }
0x35: {  	v0 =	vadd.s32 v3, v0;
	_ =	sdelay $0x3  }
0x36: {  	s24 =	simm.s32 $0x8080  }
0x37: {  	[tilespmem:s24], [sflag:$0x1] =	stream.indirect_vreg.gather [hbm4b:s4+s3], $0x80, v0, vm0, $0xb8;
	[tilespmem:$0x1C080] =	vst v63  }
0x38: {  	s25 =	simm.s32 $0x8880  }
0x39: {  	[tilespmem:s25], [sflag:$0x1] =	stream.indirect_vreg.gather [hbm4b:s1+s3], $0x80, v0, vm0, $0xb8;
	[tilespmem:$0x1C080] =	vst v63  }
0x3a: {  	s26 =	simm.s32 $0x9080  }
0x3b: {  	[tilespmem:s26], [sflag:$0x1] =	stream.indirect_vreg.gather [hbm4b:s0+s3], $0x80, v0, vm0, $0xb8;
	[tilespmem:$0x1C080] =	vst v63  }
0x3c: {  	s29 =	simm.s32 $0x9880  }
0x3d: {  	[tilespmem:s29], [sflag:$0x1] =	stream.indirect_vreg.gather [hbm4b:s5+s3], $0x80, v0, vm0, $0xb8;
	[tilespmem:$0x1C080] =	vst v63  }
0x3e: {  	s30 =	simm.s32 $0xA080  }
0x3f: {  	[tilespmem:s30], [sflag:$0x1] =	stream.indirect_vreg.gather [hbm4b:s6+s3], $0x80, v0, vm0, $0xb8;
	[tilespmem:$0x1C080] =	vst v63  }
0x40: {  	s2 =	simm.s32 $0xA880  }
0x41: {  	[tilespmem:s2], [sflag:$0x1] =	stream.indirect_vreg.gather [hbm4b:s7+s3], $0x80, v0, vm0, $0xb8;
	[tilespmem:$0x1C080] =	vst v63  }
0x42: {  	s11 =	simm.s32 $0xB080  }
0x43: {  	[tilespmem:s11], [sflag:$0x1] =	stream.indirect_vreg.gather [hbm4b:s9+s3], $0x80, v0, vm0, $0xb8;
	[tilespmem:$0x1C080] =	vst v63  }
0x44: {  	s12 =	simm.s32 $0xB880;
	s8 =	simm.s32 $0x1  }
0x45: {  	[tilespmem:s12], [sflag:$0x1] =	stream.indirect_vreg.gather [hbm4b:s10+s3], $0x80, v0, vm0, $0xb8;
	[tilespmem:$0x1C080] =	vst v63  }
0x46: {  	_ =	swait.ge [sflag:s8], $0xC000  }
0x47: {  	[sflag:s8] =	ssyncset.done $0x0  }
0x48: {  	[sflag:s8] =	ssyncadd.s32 $0xFFFF4000  }
0x49: {  	v0 =	vld [tilespmem:$0x18];
	_ =	sdelay $0x4  }
0x4a: {  	v4 =	vshll.u32 v0, $0x4  }
0x4b: {  	v0 =	vand.u32 $0x7, v0;
	v4 =	vand.u32 $0xFFFFFF80, v4  }
0x4c: {  	v0 =	vor.u32 v0, v4  }
0x4d: {  	v4 =	vperm.xlane v0, v1;
	_ =	sdelay $0x1  }
0x4e: {  	v4 =	vadd.s32 v3, v4;
	_ =	sdelay $0x3  }
0x4f: {  	s11 =	simm.s32 $0xC080  }
0x50: {  	[tilespmem:s11], [sflag:$0x2] =	stream.indirect_vreg.gather [hbm4b:s4+s3], $0x80, v4, vm0, $0xb8;
	[tilespmem:$0x1C080] =	vst v63  }
0x51: {  	s13 =	simm.s32 $0xC880  }
0x52: {  	[tilespmem:s13], [sflag:$0x2] =	stream.indirect_vreg.gather [hbm4b:s1+s3], $0x80, v4, vm0, $0xb8;
	[tilespmem:$0x1C080] =	vst v63  }
0x53: {  	s14 =	simm.s32 $0xD080  }
0x54: {  	[tilespmem:s14], [sflag:$0x2] =	stream.indirect_vreg.gather [hbm4b:s0+s3], $0x80, v4, vm0, $0xb8;
	[tilespmem:$0x1C080] =	vst v63  }
0x55: {  	s15 =	simm.s32 $0xD880  }
0x56: {  	[tilespmem:s15], [sflag:$0x2] =	stream.indirect_vreg.gather [hbm4b:s5+s3], $0x80, v4, vm0, $0xb8;
	[tilespmem:$0x1C080] =	vst v63  }
0x57: {  	s16 =	simm.s32 $0xE080  }
0x58: {  	[tilespmem:s16], [sflag:$0x2] =	stream.indirect_vreg.gather [hbm4b:s6+s3], $0x80, v4, vm0, $0xb8;
	[tilespmem:$0x1C080] =	vst v63  }
0x59: {  	s17 =	simm.s32 $0xE880;
	v0 =	vperm.xlane v0, v2  }
0x5a: {  	[tilespmem:s17], [sflag:$0x2] =	stream.indirect_vreg.gather [hbm4b:s7+s3], $0x80, v4, vm0, $0xb8;
	[tilespmem:$0x1C080] =	vst v63  }
0x5b: {  	s18 =	simm.s32 $0xF080;
	v0 =	vadd.s32 v3, v0  }
0x5c: {  	[tilespmem:s18], [sflag:$0x2] =	stream.indirect_vreg.gather [hbm4b:s9+s3], $0x80, v4, vm0, $0xb8;
	[tilespmem:$0x1C080] =	vst v63  }
0x5d: {  	s19 =	simm.s32 $0xF880  }
0x5e: {  	[tilespmem:s19], [sflag:$0x2] =	stream.indirect_vreg.gather [hbm4b:s10+s3], $0x80, v4, vm0, $0xb8;
	[tilespmem:$0x1C080] =	vst v63  }
0x5f: {  	s20 =	simm.s32 $0x10080  }
0x60: {  	[tilespmem:s20], [sflag:$0x2] =	stream.indirect_vreg.gather [hbm4b:s4+s3], $0x80, v0, vm0, $0xb8;
	[tilespmem:$0x1C080] =	vst v63  }
0x61: {  	s21 =	simm.s32 $0x10880  }
0x62: {  	[tilespmem:s21], [sflag:$0x2] =	stream.indirect_vreg.gather [hbm4b:s1+s3], $0x80, v0, vm0, $0xb8;
	[tilespmem:$0x1C080] =	vst v63  }
0x63: {  	s22 =	simm.s32 $0x11080  }
0x64: {  	[tilespmem:s22], [sflag:$0x2] =	stream.indirect_vreg.gather [hbm4b:s0+s3], $0x80, v0, vm0, $0xb8;
	[tilespmem:$0x1C080] =	vst v63  }
0x65: {  	s23 =	simm.s32 $0x11880  }
0x66: {  	[tilespmem:s23], [sflag:$0x2] =	stream.indirect_vreg.gather [hbm4b:s5+s3], $0x80, v0, vm0, $0xb8;
	[tilespmem:$0x1C080] =	vst v63  }
0x67: {  	s24 =	simm.s32 $0x12080  }
0x68: {  	[tilespmem:s24], [sflag:$0x2] =	stream.indirect_vreg.gather [hbm4b:s6+s3], $0x80, v0, vm0, $0xb8;
	[tilespmem:$0x1C080] =	vst v63  }
0x69: {  	s25 =	simm.s32 $0x12880  }
0x6a: {  	[tilespmem:s25], [sflag:$0x2] =	stream.indirect_vreg.gather [hbm4b:s7+s3], $0x80, v0, vm0, $0xb8;
	[tilespmem:$0x1C080] =	vst v63  }
0x6b: {  	s26 =	simm.s32 $0x13080  }
0x6c: {  	[tilespmem:s26], [sflag:$0x2] =	stream.indirect_vreg.gather [hbm4b:s9+s3], $0x80, v0, vm0, $0xb8;
	[tilespmem:$0x1C080] =	vst v63  }
0x6d: {  	s29 =	simm.s32 $0x13880  }
0x6e: {  	[tilespmem:s29], [sflag:$0x2] =	stream.indirect_vreg.gather [hbm4b:s10+s3], $0x80, v0, vm0, $0xb8;
	[tilespmem:$0x1C080] =	vst v63  }
0x6f: {  	v0 =	vld.msk [tilespmem:$0x28], $0xff;
	_ =	sdelay $0x4  }
0x70: {  	v2 =	vshll.u32 v0, $0x4  }
0x71: {  	v0 =	vand.u32 $0x7, v0;
	v2 =	vand.u32 $0xFFFFFF80, v2  }
0x72: {  	v0 =	vor.u32 v0, v2  }
0x73: {  	v0 =	vperm.xlane v0, v1;
	_ =	sdelay $0x1  }
0x74: {  	v0 =	vadd.s32 v3, v0;
	_ =	sdelay $0x3  }
0x75: {  	s30 =	simm.s32 $0x14080  }
0x76: {  	[tilespmem:s30], [sflag:$0x2] =	stream.indirect_vreg.gather [hbm4b:s4+s3], $0x80, v0, vm0, $0xb8;
	[tilespmem:$0x1C080] =	vst v63  }
0x77: {  	s2 =	simm.s32 $0x14880  }
0x78: {  	[tilespmem:s2], [sflag:$0x2] =	stream.indirect_vreg.gather [hbm4b:s1+s3], $0x80, v0, vm0, $0xb8;
	[tilespmem:$0x1C080] =	vst v63  }
0x79: {  	s4 =	simm.s32 $0x15080  }
0x7a: {  	[tilespmem:s4], [sflag:$0x2] =	stream.indirect_vreg.gather [hbm4b:s0+s3], $0x80, v0, vm0, $0xb8;
	[tilespmem:$0x1C080] =	vst v63  }
0x7b: {  	s11 =	simm.s32 $0x15880  }
0x7c: {  	[tilespmem:s11], [sflag:$0x2] =	stream.indirect_vreg.gather [hbm4b:s5+s3], $0x80, v0, vm0, $0xb8;
	[tilespmem:$0x1C080] =	vst v63  }
0x7d: {  	s12 =	simm.s32 $0x16080  }
0x7e: {  	[tilespmem:s12], [sflag:$0x2] =	stream.indirect_vreg.gather [hbm4b:s6+s3], $0x80, v0, vm0, $0xb8;
	[tilespmem:$0x1C080] =	vst v63  }
0x7f: {  	s13 =	simm.s32 $0x16880  }
0x80: {  	[tilespmem:s13], [sflag:$0x2] =	stream.indirect_vreg.gather [hbm4b:s7+s3], $0x80, v0, vm0, $0xb8;
	[tilespmem:$0x1C080] =	vst v63  }
0x81: {  	s14 =	simm.s32 $0x17080;
	s16 =	simm.s32 $0x0  }
0x82: {  	[tilespmem:s14], [sflag:$0x2] =	stream.indirect_vreg.gather [hbm4b:s9+s3], $0x80, v0, vm0, $0xb8;
	[tilespmem:$0x1C080] =	vst v63  }
0x83: {  	s15 =	simm.s32 $0x17880;
	s5 =	sand.u32 $0x40, s16  }
0x84: {  	[tilespmem:s15], [sflag:$0x2] =	stream.indirect_vreg.gather [hbm4b:s10+s3], $0x80, v0, vm0, $0xb8;
	[tilespmem:$0x1C080] =	vst v63  }
0x85: {  	s14 =	sor.u32 $0x30, s5;
	s15 =	sand.u32 $0x3C00, s3  }
0x86: {  	s17 =	sor.u32 $0x4080, s15;
	s11 =	sor.u32 s14, s15  }
0x87: {  	v0 =	vld [tilespmem:s11+$0x80];
	s18 =	sor.u32 s14, s17  }
0x88: {  	s19 =	sor.u32 $0x8080, s15;
	v1 =	vld [tilespmem:s18+$0x0]  }
0x89: {  	s20 =	sor.u32 s14, s19  }
0x8a: {  	s7 =	sor.u32 $0x10, s5;
	v2 =	vld [tilespmem:s20+$0x0]  }
0x8b: {  	s12 =	sor.u32 s7, s15  }
0x8c: {  	s6 =	sor.u32 $0x20, s5;
	s21 =	sor.u32 s7, s17;
	v3 =	vld [tilespmem:s12+$0x80]  }
0x8d: {  	s22 =	sor.u32 s6, s17;
	v4 =	vld [tilespmem:s21+$0x0];
	v0 =	vadd.f32 v1, v0  }
0x8e: {  	s23 =	sor.u32 s7, s19;
	v5 =	vld [tilespmem:s22+$0x0]  }
0x8f: {  	s4 =	sor.u32 s6, s15;
	v6 =	vld [tilespmem:s23+$0x0];
	v0 =	vadd.f32 v2, v0  }
0x90: {  	s24 =	sor.u32 s6, s19;
	v1 =	vld [tilespmem:s4+$0x80]  }
0x91: {  	s0 =	sor.u32 s5, s17;
	v7 =	vld [tilespmem:s24+$0x0];
	v0 =	vmul.f32 $3.333333430e-01, v0  }
0x92: {  	s25 =	sor.u32 $0x4100, s15;
	v8 =	vld [tilespmem:s0+$0x0]  }
0x93: {  	s26 =	sor.u32 s14, s25;
	v3 =	vadd.f32 v4, v3;
	[tilespmem:s11+$0x18080] =	vst v0;
	v0 =	vld [tilespmem:s11+$0x100]  }
0x94: {  	s3 =	sor.u32 s5, s15;
	s13 =	sor.u32 $0x8100, s15;
	v4 =	vld [tilespmem:s26+$0x0]  }
0x95: {  	s29 =	sor.u32 s14, s13;
	v2 =	vld [tilespmem:s3+$0x80];
	v3 =	vadd.f32 v6, v3;
	v1 =	vadd.f32 v5, v1  }
0x96: {  	s9 =	sor.u32 s5, s19;
	v5 =	vld [tilespmem:s29+$0x0]  }
0x97: {  	v6 =	vld [tilespmem:s9+$0x0];
	v3 =	vmul.f32 $3.333333430e-01, v3;
	v1 =	vadd.f32 v7, v1  }
0x98: {  	v9 =	vld [tilespmem:s4+$0x100]  }
0x99: {  	s30 =	sor.u32 s7, s25;
	[tilespmem:s12+$0x18080] =	vst v3;
	v7 =	vld [tilespmem:s12+$0x100];
	v1 =	vmul.f32 $3.333333430e-01, v1;
	v0 =	vadd.f32 v4, v0  }
0x9a: {  	v2 =	vadd.f32 v8, v2;
	v3 =	vld [tilespmem:s30+$0x0]  }
0x9b: {  	s2 =	sor.u32 s6, s25;
	[tilespmem:s4+$0x18080] =	vst v1;
	v4 =	vld [tilespmem:s3+$0x100];
	v0 =	vadd.f32 v5, v0  }
0x9c: {  	s10 =	sor.u32 s7, s13;
	v1 =	vadd.f32 v6, v2;
	v2 =	vld [tilespmem:s2+$0x0]  }
0x9d: {  	s16 =	sor.u32 s6, s13;
	v5 =	vld [tilespmem:s10+$0x0];
	v0 =	vmul.f32 $3.333333430e-01, v0  }
0x9e: {  	s17 =	sor.u32 $0x4180, s15;
	v6 =	vld [tilespmem:s16+$0x0];
	v1 =	vmul.f32 $3.333333430e-01, v1  }
0x9f: {  	s18 =	sor.u32 s14, s17;
	[tilespmem:s11+$0x18100] =	vst v0;
	v0 =	vld [tilespmem:s11+$0x180]  }
0xa0: {  	s1 =	sor.u32 s5, s25;
	s19 =	sor.u32 $0x8180, s15;
	[tilespmem:s3+$0x18080] =	vst v1;
	v1 =	vadd.f32 v3, v7;
	v3 =	vld [tilespmem:s18+$0x0]  }
0xa1: {  	s20 =	sor.u32 s14, s19;
	v7 =	vld [tilespmem:s1+$0x0];
	v2 =	vadd.f32 v2, v9  }
0xa2: {  	s21 =	sor.u32 s5, s13;
	v1 =	vadd.f32 v5, v1;
	v5 =	vld [tilespmem:s20+$0x0]  }
0xa3: {  	v8 =	vld [tilespmem:s21+$0x0];
	v2 =	vadd.f32 v6, v2  }
0xa4: {  	v9 =	vld [tilespmem:s4+$0x180];
	v1 =	vmul.f32 $3.333333430e-01, v1  }
0xa5: {  	v6 =	vld [tilespmem:s12+$0x180];
	v2 =	vmul.f32 $3.333333430e-01, v2;
	v0 =	vadd.f32 v3, v0  }
0xa6: {  	s22 =	sor.u32 s7, s17;
	[tilespmem:s12+$0x18100] =	vst v1;
	v3 =	vadd.f32 v7, v4;
	v4 =	vld [tilespmem:s3+$0x180]  }
0xa7: {  	s23 =	sor.u32 s6, s17;
	[tilespmem:s4+$0x18100] =	vst v2;
	v1 =	vld [tilespmem:s22+$0x0];
	v0 =	vadd.f32 v5, v0  }
0xa8: {  	s24 =	sor.u32 s7, s19;
	v2 =	vadd.f32 v8, v3;
	v3 =	vld [tilespmem:s23+$0x0]  }
0xa9: {  	s25 =	sor.u32 s6, s19;
	v5 =	vld [tilespmem:s24+$0x0];
	v0 =	vmul.f32 $3.333333430e-01, v0  }
0xaa: {  	s26 =	sor.u32 $0x4200, s15;
	v7 =	vld [tilespmem:s25+$0x0];
	v2 =	vmul.f32 $3.333333430e-01, v2  }
0xab: {  	s29 =	sor.u32 s14, s26;
	[tilespmem:s11+$0x18180] =	vst v0;
	v0 =	vld [tilespmem:s11+$0x200]  }
0xac: {  	s0 =	sor.u32 s5, s17;
	s30 =	sor.u32 $0x8200, s15;
	v1 =	vadd.f32 v1, v6;
	[tilespmem:s3+$0x18100] =	vst v2;
	v2 =	vld [tilespmem:s29+$0x0]  }
0xad: {  	s2 =	sor.u32 s14, s30;
	v6 =	vld [tilespmem:s0+$0x0];
	v3 =	vadd.f32 v3, v9  }
0xae: {  	v1 =	vadd.f32 v5, v1;
	v5 =	vld [tilespmem:s2+$0x0]  }
0xaf: {  	s9 =	sor.u32 s5, s19;
	v3 =	vadd.f32 v7, v3  }
0xb0: {  	v7 =	vld [tilespmem:s9+$0x0];
	v1 =	vmul.f32 $3.333333430e-01, v1  }
0xb1: {  	v8 =	vld [tilespmem:s12+$0x200];
	v3 =	vmul.f32 $3.333333430e-01, v3;
	v0 =	vadd.f32 v2, v0  }
0xb2: {  	p0 =	por $0x0, $0x0;
	s10 =	sor.u32 s7, s26;
	s9 =	simm.s32 $0x1;
	[tilespmem:s12+$0x18180] =	vst v1;
	v2 =	vld [tilespmem:s4+$0x200]  }
0xb3: {  	s16 =	sor.u32 s6, s26;
	s9 =	simm.s32 @!p0 $0x0;
	v1 =	vadd.f32 v6, v4;
	v4 =	vld [tilespmem:s10+$0x0];
	[tilespmem:s4+$0x18180] =	vst v3;
	v0 =	vadd.f32 v5, v0  }
0xb4: {  	s17 =	sor.u32 s7, s30;
	s9 =	sshll.u32 s9, $0x6;
	v3 =	vld [tilespmem:s16+$0x0]  }
0xb5: {  	s9 =	sadd.s32 $0x0, s9;
	v1 =	vadd.f32 v7, v1;
	v5 =	vld [tilespmem:s17+$0x0];
	v0 =	vmul.f32 $3.333333430e-01, v0  }
0xb6: {  	s18 =	sor.u32 s6, s30;
	v6 =	vld [tilespmem:s3+$0x200];
	s10 =	sadd.s32 $0x30, s9  }
0xb7: {  	s0 =	sor.u32 $0x4280, s15;
	v7 =	vld [tilespmem:s18+$0x0];
	s16 =	sor.u32 $0x200, s10;
	v1 =	vmul.f32 $3.333333430e-01, v1;
	[tilespmem:s11+$0x18200] =	vst v0  }
0xb8: {  	s19 =	sor.u32 s14, s0;
	v0 =	vadd.f32 v4, v8;
	v4 =	vld [tilespmem:s16+$0x80]  }
0xb9: {  	s1 =	sor.u32 s5, s26;
	s17 =	sor.u32 $0x8280, s15;
	[tilespmem:s3+$0x18180] =	vst v1;
	v1 =	vld [tilespmem:s19+$0x0]  }
0xba: {  	s20 =	sor.u32 s14, s17;
	v2 =	vadd.f32 v3, v2;
	v3 =	vld [tilespmem:s1+$0x0];
	v0 =	vadd.f32 v5, v0  }
0xbb: {  	v5 =	vld [tilespmem:s20+$0x0]  }
0xbc: {  	s21 =	sor.u32 s5, s30;
	v2 =	vadd.f32 v7, v2;
	v0 =	vmul.f32 $3.333333430e-01, v0  }
0xbd: {  	s11 =	sadd.s32 $0x10, s9;
	v7 =	vld [tilespmem:s21+$0x0]  }
0xbe: {  	s22 =	sor.u32 $0x200, s11;
	v2 =	vmul.f32 $3.333333430e-01, v2;
	[tilespmem:s12+$0x18200] =	vst v0;
	v0 =	vadd.f32 v1, v4  }
0xbf: {  	s23 =	sor.u32 s7, s0;
	s12 =	sadd.s32 $0x20, s9;
	v1 =	vld [tilespmem:s22+$0x80]  }
0xc0: {  	v3 =	vadd.f32 v3, v6;
	s18 =	sor.u32 $0x200, s12;
	[tilespmem:s4+$0x18200] =	vst v2;
	v2 =	vld [tilespmem:s23+$0x0];
	v0 =	vadd.f32 v5, v0  }
0xc1: {  	s24 =	sor.u32 s7, s17;
	v4 =	vld [tilespmem:s18+$0x80]  }
0xc2: {  	s25 =	sor.u32 s6, s0;
	v3 =	vadd.f32 v7, v3;
	v5 =	vld [tilespmem:s24+$0x0];
	v0 =	vmul.f32 $3.333333430e-01, v0  }
0xc3: {  	s26 =	sor.u32 s6, s17;
	v6 =	vld [tilespmem:s25+$0x0]  }
0xc4: {  	s13 =	sor.u32 $0x4300, s15;
	s29 =	sor.u32 $0x280, s10;
	v7 =	vld [tilespmem:s26+$0x0];
	v3 =	vmul.f32 $3.333333430e-01, v3;
	[tilespmem:s16+$0x18080] =	vst v0  }
0xc5: {  	s30 =	sor.u32 s14, s13;
	v0 =	vadd.f32 v2, v1;
	v1 =	vld [tilespmem:s29+$0x80]  }
0xc6: {  	s19 =	sor.u32 $0x200, s9;
	[tilespmem:s3+$0x18200] =	vst v3;
	v2 =	vld [tilespmem:s30+$0x0]  }
0xc7: {  	s0 =	sor.u32 s5, s0;
	s20 =	sor.u32 $0x8300, s15;
	v3 =	vld [tilespmem:s19+$0x80]  }
0xc8: {  	s2 =	sor.u32 s14, s20;
	v8 =	vld [tilespmem:s0+$0x0];
	v0 =	vadd.f32 v5, v0  }
0xc9: {  	v5 =	vld [tilespmem:s2+$0x0]  }
0xca: {  	s16 =	sor.u32 s5, s17;
	v4 =	vadd.f32 v6, v4;
	v0 =	vmul.f32 $3.333333430e-01, v0  }
0xcb: {  	v6 =	vld [tilespmem:s16+$0x0]  }
0xcc: {  	s21 =	sor.u32 $0x280, s11;
	v1 =	vadd.f32 v2, v1;
	[tilespmem:s22+$0x18080] =	vst v0;
	v0 =	vadd.f32 v7, v4  }
0xcd: {  	s17 =	sor.u32 s7, s13;
	v2 =	vld [tilespmem:s21+$0x80]  }
0xce: {  	v3 =	vadd.f32 v8, v3;
	v4 =	vld [tilespmem:s17+$0x0];
	v1 =	vadd.f32 v5, v1;
	v0 =	vmul.f32 $3.333333430e-01, v0  }
0xcf: {  	s22 =	sor.u32 s7, s20  }
0xd0: {  	s23 =	sor.u32 s6, s13;
	v5 =	vld [tilespmem:s22+$0x0];
	v1 =	vmul.f32 $3.333333430e-01, v1;
	[tilespmem:s18+$0x18080] =	vst v0;
	v0 =	vadd.f32 v6, v3  }
0xd1: {  	s26 =	sor.u32 $0x4380, s15;
	s25 =	sor.u32 s6, s20;
	v3 =	vld [tilespmem:s23+$0x0]  }
0xd2: {  	s4 =	simm.s32 $0x40;
	s24 =	sor.u32 s14, s26;
	s22 =	sor.u32 $0x8380, s15;
	v6 =	vld [tilespmem:s25+$0x0];
	[tilespmem:s29+$0x18080] =	vst v1;
	v0 =	vmul.f32 $3.333333430e-01, v0  }
0xd3: {  	s3 =	sor.u32 s5, s20;
	s30 =	sor.u32 s5, s13;
	v1 =	vadd.f32 v4, v2;
	s29 =	sor.u32 s14, s22;
	v4 =	vld [tilespmem:s24+$0x0]  }
0xd4: {  	s13 =	sand.u32 $0x40, s4;
	s2 =	simm.s32 $0x200;
	s18 =	simm.s32 $0x200;
	[tilespmem:s19+$0x18080] =	vst v0;
	v0 =	vld [tilespmem:s29+$0x0]  }
0xd5: {  	s16 =	sor.u32 $0x30, s13;
	s17 =	sand.u32 $0x3C00, s2;
	v1 =	vadd.f32 v5, v1;
	v5 =	vld [tilespmem:s30+$0x0];
	[dreg:$0x5] =	wrdreg s18  }
0xd6: {  	s0 =	sor.u32 $0x4080, s17;
	s23 =	sor.u32 s16, s17;
	v7 =	vld [tilespmem:s3+$0x0]  }
0xd7: {  	s20 =	sor.u32 $0x8080, s17;
	s19 =	sor.u32 s16, s0;
	v8 =	vld [tilespmem:s23+$0x80]  }
0xd8: {  	s25 =	sor.u32 s16, s20;
	v9 =	vld [tilespmem:s19+$0x0]  }
0xd9: {  	v10 =	vld [tilespmem:s25+$0x0]  }
0xda: {  	s18 =	sor.u32 $0x10, s13;
	v38 =	vld [tilespmem:s23+$0x100]  }
0xdb: {  	s30 =	sor.u32 s18, s0;
	v43 =	vld [tilespmem:s23+$0x180]  }
0xdc: {  	s19 =	sor.u32 $0x20, s13;
	s25 =	sor.u32 s18, s17;
	v11 =	vld [tilespmem:s30+$0x0]  }
0xdd: {  	v1 =	vmul.f32 $3.333333430e-01, v1;
	s2 =	sor.u32 s19, s0;
	v13 =	vld [tilespmem:s25+$0x80]  }
0xde: {  	s3 =	sor.u32 $0x300, s10;
	v12 =	vld [tilespmem:s2+$0x0]  }
0xdf: {  	s24 =	sor.u32 s7, s26;
	[tilespmem:s21+$0x18080] =	vst v1;
	v8 =	vadd.f32 v9, v8;
	v9 =	vld [tilespmem:s3+$0x80]  }
0xe0: {  	s29 =	sor.u32 s7, s22;
	v2 =	vld [tilespmem:s24+$0x0]  }
0xe1: {  	v1 =	vld [tilespmem:s29+$0x0];
	s29 =	sor.u32 s18, s20  }
0xe2: {  	s24 =	sor.u32 s19, s17;
	v14 =	vld [tilespmem:s29+$0x0]  }
0xe3: {  	s30 =	sor.u32 s19, s20;
	v8 =	vadd.f32 v10, v8;
	v10 =	vld [tilespmem:s24+$0x80]  }
0xe4: {  	s0 =	sor.u32 s13, s0;
	v15 =	vld [tilespmem:s30+$0x0];
	v4 =	vadd.f32 v4, v9  }
0xe5: {  	v16 =	vld [tilespmem:s0+$0x0];
	s0 =	sor.u32 $0x280, s12;
	v9 =	vadd.f32 v11, v13  }
0xe6: {  	s20 =	sor.u32 s13, s20;
	v8 =	vmul.f32 $3.333333430e-01, v8;
	v11 =	vld [tilespmem:s0+$0x80];
	v0 =	vadd.f32 v0, v4  }
0xe7: {  	s28 =	sor.u32 $0x4100, s17;
	s21 =	sor.u32 s13, s17;
	v39 =	vld [tilespmem:s20+$0x0];
	v9 =	vadd.f32 v14, v9  }
0xe8: {  	s2 =	sor.u32 s16, s28;
	s29 =	sor.u32 $0x8100, s17;
	[tilespmem:s23+$0x18080] =	vst v8;
	v4 =	vadd.f32 v12, v10;
	v10 =	vld [tilespmem:s21+$0x80];
	v0 =	vmul.f32 $3.333333430e-01, v0  }
0xe9: {  	s20 =	sadd.s32 $0x4400, s15;
	s30 =	sor.u32 s16, s29;
	v8 =	vld [tilespmem:s2+$0x0];
	v9 =	vmul.f32 $3.333333430e-01, v9  }
0xea: {  	v40 =	vld [tilespmem:s30+$0x0];
	v4 =	vadd.f32 v15, v4;
	[tilespmem:s3+$0x18080] =	vst v0;
	s3 =	sor.u32 s14, s20  }
0xeb: {  	s30 =	sor.u32 s18, s28;
	v3 =	vadd.f32 v3, v11;
	[tilespmem:s25+$0x18080] =	vst v9;
	v0 =	vld [tilespmem:s3+$0x0]  }
0xec: {  	v4 =	vmul.f32 $3.333333430e-01, v4;
	v9 =	vld [tilespmem:s30+$0x0]  }
0xed: {  	v10 =	vadd.f32 v16, v10;
	v3 =	vadd.f32 v6, v3;
	v6 =	vld [tilespmem:s25+$0x100];
	s3 =	sor.u32 s18, s29  }
0xee: {  	s2 =	sor.u32 s19, s28;
	[tilespmem:s24+$0x18080] =	vst v4;
	v41 =	vld [tilespmem:s3+$0x0]  }
0xef: {  	v4 =	vadd.f32 v8, v38;
	v11 =	vld [tilespmem:s2+$0x0];
	v8 =	vadd.f32 v39, v10  }
0xf0: {  	v3 =	vmul.f32 $3.333333430e-01, v3;
	v10 =	vld [tilespmem:s24+$0x100]  }
0xf1: {  	v48 =	vld [tilespmem:s24+$0x200];
	s30 =	sor.u32 s19, s29;
	v4 =	vadd.f32 v40, v4;
	v8 =	vmul.f32 $3.333333430e-01, v8  }
0xf2: {  	s2 =	sor.u32 s6, s26;
	[tilespmem:s0+$0x18080] =	vst v3;
	v3 =	vld [tilespmem:s30+$0x0]  }
0xf3: {  	s3 =	sor.u32 s13, s28;
	v42 =	vmul.f32 $3.333333430e-01, v4;
	v4 =	vld [tilespmem:s2+$0x0];
	v6 =	vadd.f32 v9, v6;
	[tilespmem:s21+$0x18080] =	vst v8  }
0xf4: {  	s1 =	sor.u32 $0x4180, s17;
	s0 =	sor.u32 $0x280, s9;
	v8 =	vld [tilespmem:s3+$0x0]  }
0xf5: {  	s28 =	sor.u32 $0x8180, s17;
	s30 =	sor.u32 s16, s1;
	[tilespmem:s23+$0x18100] =	vst v42;
	v10 =	vadd.f32 v11, v10;
	v11 =	vld [tilespmem:s0+$0x80];
	v6 =	vadd.f32 v41, v6  }
0xf6: {  	s2 =	sor.u32 s16, s28;
	v9 =	vld [tilespmem:s30+$0x0]  }
0xf7: {  	v13 =	vld [tilespmem:s2+$0x0];
	v3 =	vadd.f32 v3, v10;
	v6 =	vmul.f32 $3.333333430e-01, v6  }
0xf8: {  	s29 =	sor.u32 s13, s29;
	v10 =	vld [tilespmem:s21+$0x100]  }
0xf9: {  	v44 =	vld [tilespmem:s29+$0x0];
	s3 =	sor.u32 s18, s1;
	v3 =	vmul.f32 $3.333333430e-01, v3;
	[tilespmem:s25+$0x18100] =	vst v6  }
0xfa: {  	v6 =	vld [tilespmem:s3+$0x0];
	v5 =	vadd.f32 v5, v11  }
0xfb: {  	[tilespmem:s24+$0x18100] =	vst v3;
	v3 =	vadd.f32 v9, v43;
	v9 =	vld [tilespmem:s24+$0x180]  }
0xfc: {  	s30 =	sor.u32 s19, s1;
	v5 =	vadd.f32 v7, v5;
	v7 =	vld [tilespmem:s25+$0x180]  }
0xfd: {  	s2 =	sor.u32 s18, s28;
	v11 =	vld [tilespmem:s30+$0x0];
	v8 =	vadd.f32 v8, v10;
	v3 =	vadd.f32 v13, v3  }
0xfe: {  	s15 =	sadd.s32 $0x8400, s15;
	s3 =	sor.u32 s19, s28;
	v10 =	vld [tilespmem:s2+$0x0];
	v5 =	vmul.f32 $3.333333430e-01, v5  }
0xff: {  	s14 =	sor.u32 s14, s15;
	v45 =	vld [tilespmem:s3+$0x0];
	v8 =	vadd.f32 v44, v8;
	v13 =	vmul.f32 $3.333333430e-01, v3  }
0x100: {  	s29 =	sor.u32 s5, s26;
	v3 =	vld [tilespmem:s14+$0x0];
	s14 =	sor.u32 $0x4200, s17;
	[tilespmem:s0+$0x18080] =	vst v5  }
0x101: {  	v5 =	vmul.f32 $3.333333430e-01, v8;
	s30 =	sor.u32 s16, s14;
	v8 =	vld [tilespmem:s29+$0x0];
	[tilespmem:s23+$0x18180] =	vst v13;
	v6 =	vadd.f32 v6, v7  }
0x102: {  	v7 =	vld [tilespmem:s30+$0x0]  }
0x103: {  	[tilespmem:s21+$0x18100] =	vst v5;
	v5 =	vadd.f32 v11, v9;
	v11 =	vld [tilespmem:s21+$0x180];
	v6 =	vadd.f32 v10, v6  }
0x104: {  	s26 =	sor.u32 $0x8200, s17;
	s1 =	sor.u32 s13, s1;
	v10 =	vld [tilespmem:s23+$0x200]  }
0x105: {  	s2 =	sor.u32 s16, s26;
	v9 =	vld [tilespmem:s1+$0x0];
	v6 =	vmul.f32 $3.333333430e-01, v6  }
0x106: {  	s3 =	sor.u32 s13, s28;
	v46 =	vld [tilespmem:s2+$0x0];
	v5 =	vadd.f32 v45, v5  }
0x107: {  	s29 =	sor.u32 s18, s14;
	v47 =	vld [tilespmem:s3+$0x0];
	[tilespmem:s25+$0x18180] =	vst v6  }
0x108: {  	v5 =	vmul.f32 $3.333333430e-01, v5;
	v6 =	vld [tilespmem:s29+$0x0]  }
0x109: {  	s1 =	sor.u32 s18, s26;
	v7 =	vadd.f32 v7, v10;
	v10 =	vld [tilespmem:s25+$0x200]  }
0x10a: {  	s30 =	sor.u32 s19, s14;
	[tilespmem:s24+$0x18180] =	vst v5;
	v9 =	vadd.f32 v9, v11;
	v11 =	vld [tilespmem:s1+$0x0]  }
0x10b: {  	v5 =	vld [tilespmem:s30+$0x0];
	v7 =	vadd.f32 v46, v7  }
0x10c: {  	s3 =	sor.u32 s19, s26;
	v9 =	vadd.f32 v47, v9  }
0x10d: {  	p0 =	por !p0, !p0;
	s2 =	sor.u32 s6, s22;
	v50 =	vld [tilespmem:s3+$0x0];
	v7 =	vmul.f32 $3.333333430e-01, v7  }
0x10e: {  	s8 =	simm.s32 @!p0 $0x0;
	s22 =	sor.u32 s5, s22;
	v49 =	vld [tilespmem:s2+$0x0];
	s1 =	sor.u32 $0x4280, s17;
	v9 =	vmul.f32 $3.333333430e-01, v9;
	v6 =	vadd.f32 v6, v10  }
0x10f: {  	v51 =	vld [tilespmem:s22+$0x0];
	s29 =	sor.u32 s16, s1;
	[tilespmem:s23+$0x18200] =	vst v7;
	s23 =	sshll.u32 s8, $0x6  }
0x110: {  	s2 =	sor.u32 $0x8280, s17;
	s30 =	sor.u32 s13, s14;
	[tilespmem:s21+$0x18180] =	vst v9;
	v5 =	vadd.f32 v5, v48;
	v7 =	vld [tilespmem:s29+$0x0];
	s14 =	sadd.s32 $0x200, s23;
	v6 =	vadd.f32 v11, v6  }
0x111: {  	s0 =	sor.u32 s16, s2;
	v9 =	vld [tilespmem:s30+$0x0];
	s23 =	sadd.s32 $0x30, s14  }
0x112: {  	v10 =	vld [tilespmem:s0+$0x0];
	v5 =	vadd.f32 v50, v5;
	s22 =	sor.u32 $0x200, s23;
	v6 =	vmul.f32 $3.333333430e-01, v6  }
0x113: {  	s28 =	sor.u32 $0x300, s11;
	v11 =	vld [tilespmem:s22+$0x80]  }
0x114: {  	s3 =	sor.u32 s13, s26;
	v5 =	vmul.f32 $3.333333430e-01, v5;
	[tilespmem:s25+$0x18200] =	vst v6;
	v6 =	vld [tilespmem:s28+$0x80]  }
0x115: {  	v52 =	vld [tilespmem:s3+$0x0]  }
0x116: {  	s26 =	sor.u32 s18, s1;
	[tilespmem:s24+$0x18200] =	vst v5;
	v5 =	vld [tilespmem:s21+$0x200]  }
0x117: {  	s25 =	sor.u32 $0x300, s12;
	v53 =	vld [tilespmem:s26+$0x0]  }
0x118: {  	s29 =	sor.u32 s19, s1;
	v7 =	vadd.f32 v7, v11;
	v11 =	vld [tilespmem:s25+$0x80]  }
0x119: {  	v54 =	vld [tilespmem:s29+$0x0];
	s29 =	sor.u32 $0x300, s9;
	v2 =	vadd.f32 v2, v6  }
0x11a: {  	s30 =	sor.u32 s18, s2;
	v6 =	vadd.f32 v10, v7;
	v7 =	vld [tilespmem:s29+$0x80]  }
0x11b: {  	s0 =	sor.u32 s19, s2;
	v17 =	vld [tilespmem:s30+$0x0];
	s24 =	sadd.s32 $0x10, s14;
	v1 =	vadd.f32 v1, v2;
	v2 =	vadd.f32 v9, v5  }
0x11c: {  	s26 =	sadd.s32 $0x20, s14;
	s30 =	sor.u32 $0x200, s24;
	v10 =	vld [tilespmem:s0+$0x0];
	v5 =	vmul.f32 $3.333333430e-01, v6  }
0x11d: {  	s8 =	sor.u32 $0x4300, s17;
	s31 =	sor.u32 $0x200, s26;
	v6 =	vld [tilespmem:s30+$0x80];
	v1 =	vmul.f32 $3.333333430e-01, v1;
	v4 =	vadd.f32 v4, v11;
	v2 =	vadd.f32 v52, v2  }
0x11e: {  	s3 =	sor.u32 s16, s8;
	[tilespmem:s22+$0x18080] =	vst v5;
	v5 =	vld [tilespmem:s31+$0x80]  }
0x11f: {  	s22 =	sor.u32 $0x280, s23;
	v9 =	vld [tilespmem:s3+$0x0];
	[tilespmem:s28+$0x18080] =	vst v1;
	v1 =	vadd.f32 v8, v7;
	v4 =	vadd.f32 v49, v4;
	v2 =	vmul.f32 $3.333333430e-01, v2  }
0x120: {  	v7 =	vld [tilespmem:s22+$0x80];
	s28 =	sor.u32 s7, s20  }
0x121: {  	s1 =	sor.u32 s13, s1;
	v8 =	vld [tilespmem:s28+$0x0];
	[tilespmem:s21+$0x18200] =	vst v2;
	v1 =	vadd.f32 v51, v1;
	v4 =	vmul.f32 $3.333333430e-01, v4  }
0x122: {  	s0 =	sor.u32 $0x8300, s17;
	v6 =	vadd.f32 v53, v6;
	s21 =	sor.u32 $0x200, s14;
	v11 =	vld [tilespmem:s1+$0x0]  }
0x123: {  	s28 =	sor.u32 s16, s0;
	[tilespmem:s25+$0x18080] =	vst v4;
	v1 =	vmul.f32 $3.333333430e-01, v1;
	v4 =	vld [tilespmem:s21+$0x80]  }
0x124: {  	s2 =	sor.u32 s13, s2;
	v2 =	vld [tilespmem:s28+$0x0];
	v5 =	vadd.f32 v54, v5;
	v6 =	vadd.f32 v17, v6  }
0x125: {  	s25 =	sor.u32 s6, s20;
	[tilespmem:s29+$0x18080] =	vst v1;
	v1 =	vld [tilespmem:s2+$0x0]  }
0x126: {  	s3 =	sor.u32 s5, s20;
	v55 =	vld [tilespmem:s25+$0x0];
	v5 =	vadd.f32 v10, v5;
	v6 =	vmul.f32 $3.333333430e-01, v6  }
0x127: {  	s7 =	sor.u32 s7, s15;
	v7 =	vadd.f32 v9, v7;
	v9 =	vld [tilespmem:s3+$0x0]  }
0x128: {  	s29 =	sor.u32 s18, s0;
	v5 =	vmul.f32 $3.333333430e-01, v5;
	[tilespmem:s30+$0x18080] =	vst v6;
	v6 =	vld [tilespmem:s7+$0x0];
	v4 =	vadd.f32 v11, v4  }
0x129: {  	s20 =	sor.u32 s18, s8;
	v2 =	vadd.f32 v2, v7;
	v10 =	vld [tilespmem:s29+$0x0]  }
0x12a: {  	s25 =	sor.u32 s19, s8;
	[tilespmem:s31+$0x18080] =	vst v5;
	v5 =	vld [tilespmem:s20+$0x0];
	v1 =	vadd.f32 v1, v4  }
0x12b: {  	s3 =	sor.u32 s19, s0;
	v2 =	vmul.f32 $3.333333430e-01, v2;
	v7 =	vld [tilespmem:s25+$0x0]  }
0x12c: {  	s29 =	sor.u32 $0x280, s26;
	v4 =	vld [tilespmem:s3+$0x0];
	v1 =	vmul.f32 $3.333333430e-01, v1  }
0x12d: {  	s2 =	sor.u32 $0x4380, s17;
	[tilespmem:s22+$0x18080] =	vst v2;
	s22 =	sor.u32 $0x280, s24;
	v59 =	vld [tilespmem:s29+$0x80]  }
0x12e: {  	s1 =	sor.u32 $0x8380, s17;
	s30 =	sor.u32 s16, s2;
	[tilespmem:s21+$0x18080] =	vst v1;
	v1 =	vld [tilespmem:s22+$0x80]  }
0x12f: {  	s20 =	sor.u32 s16, s1;
	v2 =	vld [tilespmem:s30+$0x0]  }
0x130: {  	s25 =	sor.u32 s13, s8;
	v11 =	vld [tilespmem:s20+$0x0]  }
0x131: {  	s21 =	sor.u32 $0x300, s23;
	v56 =	vld [tilespmem:s25+$0x0]  }
0x132: {  	v58 =	vld [tilespmem:s21+$0x80];
	s25 =	sor.u32 $0x380, s10  }
0x133: {  	s8 =	sor.u32 $0x380, s9;
	v60 =	vld [tilespmem:s25+$0x80];
	v1 =	vadd.f32 v5, v1  }
0x134: {  	v62 =	vld [tilespmem:s8+$0x80];
	s10 =	sor.u32 $0x380, s11;
	s11 =	sor.u32 $0x280, s14  }
0x135: {  	v61 =	vld [tilespmem:s11+$0x80];
	v1 =	vadd.f32 v10, v1  }
0x136: {  	s0 =	sor.u32 s13, s0;
	v7 =	vadd.f32 v7, v59;
	v5 =	vld [tilespmem:s10+$0x80]  }
0x137: {  	s5 =	sor.u32 s5, s15;
	v57 =	vld [tilespmem:s0+$0x0];
	v2 =	vadd.f32 v2, v58;
	v1 =	vmul.f32 $3.333333430e-01, v1  }
0x138: {  	s7 =	sor.u32 $0x380, s12;
	v4 =	vadd.f32 v4, v7;
	v7 =	vld [tilespmem:s5+$0x0];
	s5 =	rddreg [dreg:$0x1];
	v0 =	vadd.f32 v0, v60  }
0x139: {  	s6 =	sor.u32 s6, s15;
	s3 =	sadd.s32 $0x600, s5;
	v10 =	vld [tilespmem:s7+$0x80];
	v2 =	vadd.f32 v11, v2;
	[tilespmem:s22+$0x18080] =	vst v1  }
0x13a: {  	s30 =	sor.u32 s18, s2;
	v11 =	vld [tilespmem:s6+$0x0];
	v0 =	vadd.f32 v3, v0;
	v3 =	vmul.f32 $3.333333430e-01, v4;
	[dreg:$0x17] =	wrdreg s3  }
0x13b: {  	s9 =	sor.u32 s18, s1;
	v4 =	vadd.f32 v56, v61;
	v5 =	vadd.f32 v8, v5;
	v2 =	vmul.f32 $3.333333430e-01, v2;
	v8 =	vld [tilespmem:s30+$0x0]  }
0x13c: {  	s28 =	sor.u32 $0x380, s23;
	s12 =	sadd.s32 $0x4400, s17;
	s22 =	sor.u32 $0x300, s24;
	v1 =	vld [tilespmem:s9+$0x0]  }
0x13d: {  	s15 =	sor.u32 s19, s2;
	s31 =	sor.u32 s13, s2;
	v4 =	vadd.f32 v57, v4;
	v5 =	vadd.f32 v6, v5;
	[tilespmem:s21+$0x18080] =	vst v2;
	v63 =	vld [tilespmem:s22+$0x80];
	s21 =	sor.u32 s16, s12  }
0x13e: {  	s20 =	sor.u32 $0x300, s26;
	s23 =	sor.u32 $0x380, s26;
	v10 =	vadd.f32 v55, v10;
	[tilespmem:s29+$0x18080] =	vst v3;
	v2 =	vmul.f32 $3.333333430e-01, v0;
	v3 =	vadd.f32 v9, v62;
	s29 =	sadd.s32 $0x8400, s17;
	v0 =	vld [tilespmem:s21+$0x0]  }
0x13f: {  	s0 =	sor.u32 s19, s1;
	s1 =	sor.u32 s13, s1;
	v4 =	vmul.f32 $3.333333430e-01, v4;
	v6 =	vmul.f32 $3.333333430e-01, v5;
	v5 =	vld [tilespmem:s15+$0x0];
	s30 =	sor.u32 s16, s29  }
0x140: {  	s5 =	sor.u32 $0x380, s24;
	s17 =	sor.u32 s19, s12;
	s9 =	sor.u32 s13, s12;
	v9 =	vadd.f32 v11, v10;
	[tilespmem:s25+$0x18080] =	vst v2;
	v2 =	vld [tilespmem:s30+$0x0];
	v7 =	vadd.f32 v7, v3  }
0x141: {  	s21 =	sor.u32 s18, s12;
	s12 =	sor.u32 s18, s29;
	s6 =	sor.u32 s19, s29;
	[tilespmem:s11+$0x18080] =	vst v4;
	v4 =	vld [tilespmem:s28+$0x80]  }
0x142: {  	s2 =	sor.u32 s13, s29;
	s19 =	sor.u32 $0x300, s14;
	v3 =	vld [tilespmem:s20+$0x80];
	s25 =	sor.u32 $0x380, s14;
	[tilespmem:s10+$0x18080] =	vst v6;
	v6 =	vmul.f32 $3.333333430e-01, v9;
	v7 =	vmul.f32 $3.333333430e-01, v7;
	v8 =	vadd.f32 v8, v63  }
.LBB2_1:
0x143: {  	s4 =	sadd.s32 $0x40, s4;
	v9 =	vld [tilespmem:s19+$0x80];
	s3 =	rddreg [dreg:$0x5]  }
0x144: {  	[tilespmem:s7+$0x18080] =	vst v6;
	s10 =	sand.u32 $0x40, s4;
	v6 =	vld [tilespmem:s31+$0x0];
	s3 =	sadd.s32 $0x200, s3  }
0x145: {  	[tilespmem:s8+$0x18080] =	vst v7;
	s13 =	sand.u32 $0x3C00, s3;
	s11 =	sor.u32 $0x30, s10;
	v7 =	vld [tilespmem:s0+$0x0];
	v1 =	vadd.f32 v1, v8  }
0x146: {  	s8 =	smov.u32 s25;
	s25 =	sor.u32 s11, s13;
	s29 =	sor.u32 $0x8080, s13;
	v0 =	vadd.f32 v0, v4;
	v4 =	vld [tilespmem:s1+$0x0]  }
0x147: {  	[dreg:$0xd] =	wrdreg s9;
	s9 =	sor.u32 $0x4080, s13;
	v3 =	vadd.f32 v5, v3;
	v5 =	vld [tilespmem:s25+$0x80];
	s7 =	sor.u32 s11, s29;
	v1 =	vmul.f32 $3.333333430e-01, v1  }
0x148: {  	[dreg:$0xc] =	wrdreg s12;
	s12 =	sor.u32 $0x10, s10;
	s26 =	sor.u32 s11, s9;
	v8 =	vld [tilespmem:s7+$0x0]  }
0x149: {  	s15 =	smov.u32 s23;
	s23 =	sor.u32 s12, s13;
	v0 =	vadd.f32 v2, v0;
	[tilespmem:s22+$0x18080] =	vst v1;
	v1 =	vld [tilespmem:s26+$0x0]  }
0x14a: {  	s14 =	sor.u32 $0x20, s10;
	s16 =	sor.u32 s12, s9;
	v6 =	vadd.f32 v6, v9;
	v3 =	vadd.f32 v7, v3;
	v2 =	vld [tilespmem:s23+$0x80]  }
0x14b: {  	s30 =	sor.u32 s14, s9;
	v0 =	vmul.f32 $3.333333430e-01, v0;
	v7 =	vld [tilespmem:s16+$0x0]  }
0x14c: {  	s24 =	sor.u32 s14, s13;
	v4 =	vadd.f32 v4, v6;
	v3 =	vmul.f32 $3.333333430e-01, v3;
	v6 =	vld [tilespmem:s30+$0x0]  }
0x14d: {  	s0 =	sor.u32 s10, s9;
	[tilespmem:s28+$0x18080] =	vst v0;
	v0 =	vld [tilespmem:s24+$0x80]  }
0x14e: {  	s18 =	sor.u32 s10, s13;
	[tilespmem:s20+$0x18080] =	vst v3;
	v3 =	vld [tilespmem:s0+$0x0];
	v1 =	vadd.f32 v1, v5  }
0x14f: {  	[dreg:$0xa] =	wrdreg s6;
	s6 =	sor.u32 s14, s29;
	v4 =	vmul.f32 $3.333333430e-01, v4;
	v5 =	vld [tilespmem:s18+$0x80]  }
0x150: {  	s26 =	sor.u32 s12, s29;
	v2 =	vadd.f32 v7, v2;
	v7 =	vld [tilespmem:s6+$0x0];
	v1 =	vadd.f32 v8, v1  }
0x151: {  	[tilespmem:s19+$0x18080] =	vst v4;
	v4 =	vld [tilespmem:s26+$0x0]  }
0x152: {  	[dreg:$0xf] =	wrdreg s8;
	s8 =	sor.u32 s10, s29;
	v1 =	vmul.f32 $3.333333430e-01, v1  }
0x153: {  	s9 =	sor.u32 $0x4100, s13;
	v8 =	vld [tilespmem:s8+$0x0];
	v0 =	vadd.f32 v6, v0  }
0x154: {  	s22 =	sor.u32 s11, s9;
	[tilespmem:s25+$0x18080] =	vst v1;
	v1 =	vld [tilespmem:s25+$0x100]  }
0x155: {  	s26 =	sor.u32 $0x8100, s13;
	v3 =	vadd.f32 v3, v5;
	v0 =	vadd.f32 v7, v0;
	v5 =	vld [tilespmem:s22+$0x0]  }
0x156: {  	[dreg:$0x4] =	wrdreg s4;
	p1 =	slt.u32 s4, $0x7C0;
	s4 =	sor.u32 s11, s26;
	v2 =	vadd.f32 v4, v2;
	v4 =	vld [tilespmem:s23+$0x100]  }
0x157: {  	v6 =	vld [tilespmem:s4+$0x0];
	v0 =	vmul.f32 $3.333333430e-01, v0  }
0x158: {  	v7 =	vld [tilespmem:s24+$0x100];
	v2 =	vmul.f32 $3.333333430e-01, v2  }
0x159: {  	s19 =	sor.u32 s14, s9;
	v3 =	vadd.f32 v8, v3;
	v8 =	vld [tilespmem:s18+$0x100];
	[tilespmem:s24+$0x18080] =	vst v0  }
0x15a: {  	s16 =	sor.u32 s12, s9;
	[tilespmem:s23+$0x18080] =	vst v2;
	v0 =	vld [tilespmem:s19+$0x0];
	v1 =	vadd.f32 v5, v1  }
0x15b: {  	s30 =	sor.u32 s14, s26;
	v3 =	vmul.f32 $3.333333430e-01, v3;
	v5 =	vld [tilespmem:s16+$0x0]  }
0x15c: {  	s29 =	sor.u32 s12, s26;
	v9 =	vld [tilespmem:s30+$0x0];
	v1 =	vadd.f32 v6, v1  }
0x15d: {  	s0 =	sor.u32 s10, s9;
	[tilespmem:s18+$0x18080] =	vst v3;
	v6 =	vld [tilespmem:s29+$0x0]  }
0x15e: {  	s9 =	sor.u32 s10, s26;
	v3 =	vld [tilespmem:s0+$0x0];
	v1 =	vmul.f32 $3.333333430e-01, v1  }
0x15f: {  	s7 =	sor.u32 $0x4180, s13;
	v0 =	vadd.f32 v0, v7;
	v7 =	vld [tilespmem:s9+$0x0]  }
0x160: {  	s22 =	sor.u32 s11, s7;
	v4 =	vadd.f32 v5, v4;
	[tilespmem:s25+$0x18100] =	vst v1;
	v1 =	vld [tilespmem:s25+$0x180]  }
0x161: {  	s26 =	sor.u32 $0x8180, s13;
	v5 =	vld [tilespmem:s22+$0x0]  }
0x162: {  	v10 =	vld [tilespmem:s23+$0x200];
	s4 =	sor.u32 s11, s26;
	v4 =	vadd.f32 v6, v4  }
0x163: {  	v0 =	vadd.f32 v9, v0;
	v6 =	vld [tilespmem:s4+$0x0]  }
0x164: {  	v2 =	vld [tilespmem:s23+$0x180];
	v3 =	vadd.f32 v3, v8;
	v4 =	vmul.f32 $3.333333430e-01, v4  }
0x165: {  	v8 =	vld [tilespmem:s24+$0x180];
	v0 =	vmul.f32 $3.333333430e-01, v0  }
0x166: {  	s8 =	sor.u32 s12, s7;
	v9 =	vld [tilespmem:s18+$0x180];
	v3 =	vadd.f32 v7, v3;
	[tilespmem:s23+$0x18100] =	vst v4;
	v1 =	vadd.f32 v5, v1  }
0x167: {  	s16 =	sor.u32 s14, s7;
	[tilespmem:s24+$0x18100] =	vst v0;
	v5 =	vld [tilespmem:s8+$0x0]  }
0x168: {  	s29 =	sor.u32 s12, s26;
	v0 =	vadd.f32 v6, v1;
	v1 =	vmul.f32 $3.333333430e-01, v3;
	v3 =	vld [tilespmem:s16+$0x0]  }
0x169: {  	v6 =	vld [tilespmem:s29+$0x0]  }
0x16a: {  	s30 =	sor.u32 s14, s26;
	v4 =	vld [tilespmem:s24+$0x200];
	v0 =	vmul.f32 $3.333333430e-01, v0  }
0x16b: {  	s8 =	sor.u32 $0x4200, s13;
	[tilespmem:s18+$0x18100] =	vst v1;
	v1 =	vld [tilespmem:s30+$0x0]  }
0x16c: {  	s0 =	sor.u32 s10, s7;
	s7 =	sor.u32 s10, s26;
	s26 =	sor.u32 s11, s8;
	v2 =	vadd.f32 v5, v2;
	[tilespmem:s25+$0x18180] =	vst v0;
	v0 =	vld [tilespmem:s25+$0x200]  }
0x16d: {  	s29 =	sor.u32 $0x8200, s13;
	v5 =	vld [tilespmem:s26+$0x0]  }
0x16e: {  	s16 =	sor.u32 s11, s29;
	v7 =	vld [tilespmem:s0+$0x0];
	v3 =	vadd.f32 v3, v8;
	v2 =	vadd.f32 v6, v2  }
0x16f: {  	v6 =	vld [tilespmem:s16+$0x0]  }
0x170: {  	v8 =	vld [tilespmem:s7+$0x0];
	v1 =	vadd.f32 v1, v3;
	v2 =	vmul.f32 $3.333333430e-01, v2  }
0x171: {  	v3 =	vld [tilespmem:s18+$0x200]  }
0x172: {  	v1 =	vmul.f32 $3.333333430e-01, v1;
	v0 =	vadd.f32 v5, v0;
	v5 =	vld [tilespmem:s5+$0x80];
	[tilespmem:s23+$0x18180] =	vst v2  }
0x173: {  	p0 =	por !p0, !p0;
	s1 =	simm.s32 $0x1;
	s9 =	sor.u32 s12, s8;
	v7 =	vadd.f32 v7, v9;
	v2 =	vld [tilespmem:s21+$0x0]  }
0x174: {  	s1 =	simm.s32 @!p0 $0x0;
	s20 =	sor.u32 s14, s8;
	v9 =	vld [tilespmem:s9+$0x0];
	[tilespmem:s24+$0x18180] =	vst v1;
	v0 =	vadd.f32 v6, v0  }
0x175: {  	s1 =	sshll.u32 s1, $0x6;
	s30 =	sor.u32 s12, s29;
	v1 =	vadd.f32 v8, v7;
	v6 =	vld [tilespmem:s20+$0x0]  }
0x176: {  	s4 =	sor.u32 s14, s29;
	s7 =	sadd.s32 s1, s3;
	v7 =	vld [tilespmem:s30+$0x0];
	v0 =	vmul.f32 $3.333333430e-01, v0  }
0x177: {  	s21 =	sadd.s32 $0x30, s7;
	v8 =	vld [tilespmem:s4+$0x0];
	v1 =	vmul.f32 $3.333333430e-01, v1  }
0x178: {  	s26 =	sor.u32 $0x4280, s13;
	s9 =	sor.u32 $0x200, s21;
	[tilespmem:s25+$0x18200] =	vst v0;
	v0 =	vadd.f32 v2, v5;
	v2 =	vld [tilespmem:s15+$0x80]  }
0x179: {  	[dreg:$0x8] =	wrdreg s2;
	s2 =	sor.u32 s10, s29;
	s29 =	sor.u32 s11, s26;
	[tilespmem:s18+$0x18180] =	vst v1;
	v1 =	vadd.f32 v9, v10;
	v5 =	vld [tilespmem:s9+$0x80]  }
0x17a: {  	[dreg:$0x15] =	wrdreg s5;
	s19 =	sor.u32 s10, s8;
	s5 =	sor.u32 $0x8280, s13;
	v4 =	vadd.f32 v6, v4;
	v6 =	vld [tilespmem:s29+$0x0]  }
0x17b: {  	s20 =	sor.u32 s11, s5;
	v9 =	vld [tilespmem:s19+$0x0];
	v1 =	vadd.f32 v7, v1  }
0x17c: {  	v7 =	vld [tilespmem:s20+$0x0]  }
0x17d: {  	v4 =	vadd.f32 v8, v4;
	v8 =	vld [tilespmem:s2+$0x0];
	v1 =	vmul.f32 $3.333333430e-01, v1  }
0x17e: {  	s8 =	sadd.s32 $0x10, s7;
	v10 =	vld [tilespmem:s17+$0x0];
	s2 =	rddreg [dreg:$0xf]  }
0x17f: {  	s0 =	sor.u32 $0x200, s8;
	v4 =	vmul.f32 $3.333333430e-01, v4;
	[tilespmem:s23+$0x18200] =	vst v1;
	v1 =	vadd.f32 v6, v5;
	v5 =	vld [tilespmem:s2+$0x80]  }
0x180: {  	s4 =	sor.u32 s12, s26;
	v3 =	vadd.f32 v9, v3;
	v6 =	vld [tilespmem:s0+$0x80]  }
0x181: {  	[dreg:$0x5] =	wrdreg s3;
	s3 =	sadd.s32 $0x20, s7;
	s16 =	sor.u32 s12, s5;
	[tilespmem:s24+$0x18200] =	vst v4;
	v4 =	vld [tilespmem:s4+$0x0];
	v1 =	vadd.f32 v7, v1  }
0x182: {  	s1 =	sor.u32 $0x200, s3;
	v9 =	vld [tilespmem:s16+$0x0];
	v3 =	vadd.f32 v8, v3  }
0x183: {  	[dreg:$0x11] =	wrdreg s15;
	s22 =	sor.u32 $0x300, s8;
	s15 =	sor.u32 s14, s26;
	v7 =	vld [tilespmem:s1+$0x80];
	v1 =	vmul.f32 $3.333333430e-01, v1  }
0x184: {  	s6 =	sor.u32 s10, s5;
	s5 =	sor.u32 s14, s5;
	s25 =	sor.u32 $0x380, s8;
	v8 =	vld [tilespmem:s15+$0x0];
	v3 =	vmul.f32 $3.333333430e-01, v3  }
0x185: {  	s29 =	sor.u32 $0x280, s8;
	s8 =	sor.u32 $0x4300, s13;
	v2 =	vadd.f32 v10, v2;
	s4 =	sor.u32 $0x280, s21;
	v10 =	vld [tilespmem:s5+$0x0];
	[tilespmem:s9+$0x18080] =	vst v1  }
0x186: {  	[tilespmem:s18+$0x18200] =	vst v3;
	v1 =	vadd.f32 v4, v6;
	s9 =	sor.u32 s11, s8;
	v3 =	vld [tilespmem:s4+$0x80]  }
0x187: {  	s30 =	sor.u32 $0x200, s7;
	s15 =	sor.u32 $0x8300, s13;
	v4 =	vld [tilespmem:s9+$0x0]  }
0x188: {  	s16 =	sor.u32 s11, s15;
	v6 =	vld [tilespmem:s30+$0x80];
	v1 =	vadd.f32 v9, v1  }
0x189: {  	s31 =	sor.u32 s10, s26;
	v7 =	vadd.f32 v8, v7;
	v8 =	vld [tilespmem:s16+$0x0]  }
0x18a: {  	v9 =	vld [tilespmem:s31+$0x0];
	v1 =	vmul.f32 $3.333333430e-01, v1  }
0x18b: {  	s28 =	sor.u32 $0x280, s3;
	s24 =	rddreg [dreg:$0xd];
	v7 =	vadd.f32 v10, v7;
	v10 =	vld [tilespmem:s6+$0x0]  }
0x18c: {  	s20 =	sor.u32 $0x300, s3;
	s23 =	sor.u32 $0x380, s3;
	s3 =	rddreg [dreg:$0xc];
	v3 =	vadd.f32 v4, v3;
	v4 =	vld [tilespmem:s24+$0x0];
	[tilespmem:s0+$0x18080] =	vst v1  }
0x18d: {  	v7 =	vmul.f32 $3.333333430e-01, v7;
	v1 =	vld [tilespmem:s3+$0x0]  }
0x18e: {  	s5 =	sor.u32 s12, s8;
	v11 =	vld [tilespmem:s29+$0x80];
	v3 =	vadd.f32 v8, v3  }
0x18f: {  	s26 =	sor.u32 $0x280, s7;
	s19 =	sor.u32 $0x300, s7;
	[tilespmem:s1+$0x18080] =	vst v7;
	v6 =	vadd.f32 v9, v6;
	v7 =	vld [tilespmem:s5+$0x0]  }
0x190: {  	[dreg:$0x16] =	wrdreg s25;
	s25 =	sor.u32 $0x380, s7;
	s7 =	sor.u32 s14, s8;
	v8 =	vld [tilespmem:s28+$0x80];
	v3 =	vmul.f32 $3.333333430e-01, v3  }
0x191: {  	s17 =	sor.u32 s10, s8;
	s8 =	sor.u32 s12, s15;
	v9 =	vld [tilespmem:s7+$0x0];
	v6 =	vadd.f32 v10, v6  }
0x192: {  	s5 =	sor.u32 $0x4380, s13;
	s3 =	sor.u32 $0x300, s21;
	v5 =	vadd.f32 v4, v5;
	v4 =	vld [tilespmem:s8+$0x0];
	[tilespmem:s4+$0x18080] =	vst v3  }
0x193: {  	s18 =	sor.u32 s10, s15;
	s9 =	sor.u32 s14, s15;
	s15 =	sor.u32 s11, s5;
	v0 =	vadd.f32 v1, v0;
	v1 =	vmul.f32 $3.333333430e-01, v6;
	v3 =	vld [tilespmem:s3+$0x80]  }
0x194: {  	s16 =	sor.u32 $0x8380, s13;
	v6 =	vadd.f32 v7, v11;
	v7 =	vld [tilespmem:s15+$0x0]  }
0x195: {  	v0 =	vmul.f32 $3.333333430e-01, v0;
	[tilespmem:s30+$0x18080] =	vst v1;
	v1 =	vld [tilespmem:s9+$0x0];
	s30 =	sor.u32 s11, s16  }
0x196: {  	v8 =	vadd.f32 v9, v8;
	s9 =	rddreg [dreg:$0x15];
	v9 =	vld [tilespmem:s30+$0x0]  }
0x197: {  	[tilespmem:s9+$0x18080] =	vst v0;
	v0 =	vld [tilespmem:s26+$0x80];
	v4 =	vadd.f32 v4, v6  }
0x198: {  	s24 =	sor.u32 s12, s16;
	v6 =	vld [tilespmem:s17+$0x0]  }
0x199: {  	s0 =	sor.u32 s14, s16;
	s1 =	sor.u32 s10, s16;
	s16 =	rddreg [dreg:$0xa];
	v10 =	vld [tilespmem:s18+$0x0];
	v4 =	vmul.f32 $3.333333430e-01, v4  }
0x19a: {  	s17 =	rddreg [dreg:$0x8];
	v3 =	vadd.f32 v7, v3;
	v7 =	vld [tilespmem:s16+$0x0];
	v1 =	vadd.f32 v1, v8  }
0x19b: {  	v8 =	vld [tilespmem:s17+$0x0];
	[tilespmem:s29+$0x18080] =	vst v4  }
0x19c: {  	s7 =	sor.u32 s12, s5;
	v3 =	vadd.f32 v9, v3;
	v9 =	vld [tilespmem:s22+$0x80];
	v4 =	vmul.f32 $3.333333430e-01, v1  }
0x19d: {  	s6 =	sor.u32 s14, s5;
	v0 =	vadd.f32 v6, v0;
	v11 =	vld [tilespmem:s7+$0x0]  }
0x19e: {  	s31 =	sor.u32 s10, s5;
	s8 =	smov.u32 s2;
	s4 =	rddreg [dreg:$0x4];
	v1 =	vld [tilespmem:s24+$0x0];
	v6 =	vmul.f32 $3.333333430e-01, v3;
	[tilespmem:s28+$0x18080] =	vst v4  }
.Ltmp0:
0x19f: {  	s15 =	rddreg [dreg:$0x16];
	s18 =	sadd.s32 $0x4400, s13;
	v0 =	vadd.f32 v10, v0;
	v3 =	vld [tilespmem:s20+$0x80];
	(pc) =	sbr.rel @p1 .LBB2_1-.Ltmp0, $4  }
0x1a0: {  	s5 =	smov.u32 s15;
	s9 =	sor.u32 s10, s18;
	s28 =	sor.u32 $0x380, s21;
	v2 =	vadd.f32 v7, v2;
	[tilespmem:s3+$0x18080] =	vst v6;
	v7 =	vadd.f32 v8, v5;
	v5 =	vld [tilespmem:s6+$0x0]  }
0x1a1: {  	s17 =	sor.u32 s14, s18;
	s29 =	sadd.s32 $0x8400, s13;
	s24 =	sor.u32 s11, s18;
	v4 =	vld [tilespmem:s28+$0x80];
	v10 =	vmul.f32 $3.333333430e-01, v0  }
0x1a2: {  	s7 =	rddreg [dreg:$0x11];
	s30 =	sor.u32 s11, s29;
	s2 =	sor.u32 s10, s29;
	v0 =	vld [tilespmem:s24+$0x0]  }
0x1a3: {  	s21 =	sor.u32 s12, s18;
	s12 =	sor.u32 s12, s29;
	s6 =	sor.u32 s14, s29;
	v6 =	vmul.f32 $3.333333430e-01, v2;
	v2 =	vld [tilespmem:s30+$0x0];
	v8 =	vadd.f32 v11, v9;
	v7 =	vmul.f32 $3.333333430e-01, v7;
	[tilespmem:s26+$0x18080] =	vst v10  }
0x1a4: {  	v9 =	vld [tilespmem:s19+$0x80]  }
0x1a5: {  	v10 =	vld [tilespmem:s31+$0x0]  }
0x1a6: {  	v11 =	vld [tilespmem:s0+$0x0];
	_ =	sdelay $0x1  }
0x1a7: {  	v12 =	vld [tilespmem:s1+$0x0];
	v1 =	vadd.f32 v1, v8  }
0x1a8: {  	v3 =	vadd.f32 v5, v3  }
0x1a9: {  	v1 =	vmul.f32 $3.333333430e-01, v1  }
0x1aa: {  	v5 =	vadd.f32 v10, v9;
	v3 =	vadd.f32 v11, v3  }
0x1ab: {  	[tilespmem:s22+$0x18080] =	vst v1  }
0x1ac: {  	v11 =	vld [tilespmem:s12+$0x0];
	v1 =	vadd.f32 v12, v5;
	v3 =	vmul.f32 $3.333333430e-01, v3  }
0x1ad: {  	v5 =	vld [tilespmem:s5+$0x80]  }
0x1ae: {  	v1 =	vmul.f32 $3.333333430e-01, v1;
	[tilespmem:s20+$0x18080] =	vst v3;
	v3 =	vld [tilespmem:s21+$0x0]  }
0x1af: {  	v8 =	vld [tilespmem:s23+$0x80]  }
0x1b0: {  	[tilespmem:s19+$0x18080] =	vst v1;
	v1 =	vld [tilespmem:s17+$0x0]  }
0x1b1: {  	v9 =	vld [tilespmem:s25+$0x80]  }
0x1b2: {  	v10 =	vld [tilespmem:s9+$0x0]  }
0x1b3: {  	v36 =	vld [tilespmem:s6+$0x0]  }
0x1b4: {  	v0 =	vadd.f32 v0, v4;
	v4 =	vld [tilespmem:s2+$0x0]  }
0x1b5: {  	v3 =	vadd.f32 v3, v5  }
0x1b6: {  	v0 =	vadd.f32 v2, v0;
	v1 =	vadd.f32 v1, v8  }
0x1b7: {  	v3 =	vadd.f32 v11, v3;
	v2 =	vadd.f32 v10, v9  }
0x1b8: {  	[tilespmem:s7+$0x18080] =	vst v6;
	v0 =	vmul.f32 $3.333333430e-01, v0;
	v1 =	vadd.f32 v36, v1  }
0x1b9: {  	[tilespmem:s8+$0x18080] =	vst v7;
	v3 =	vmul.f32 $3.333333430e-01, v3;
	v2 =	vadd.f32 v4, v2  }
0x1ba: {  	[tilespmem:s28+$0x18080] =	vst v0;
	v0 =	vmul.f32 $3.333333430e-01, v1  }
0x1bb: {  	[tilespmem:s5+$0x18080] =	vst v3;
	v1 =	vmul.f32 $3.333333430e-01, v2  }
0x1bc: {  	[tilespmem:s23+$0x18080] =	vst v0  }
0x1bd: {  	s13 =	simm.s32 $0x18080;
	s9 =	stileid.u32;
	[tilespmem:s25+$0x18080] =	vst v1  }
0x1be: {  	s14 =	simm.s32 $0x2;
	s10 =	sshll.u32 s9, $0xC;
	s11 =	rddreg [dreg:$0x17]  }
0x1bf: {  	s12 =	simm.s32 $0x0;
	[dreg:$0x18] =	wrdreg s10;
	s0 =	sadd.s32 s11, s10  }
0x1c0: {  	[hbm4b:s0+s12] =	stream.linear.scatter [tilespmem:s13], [sflag:$0x3], $0x4000, $0x38;
	[tilespmem:$0x1C080] =	vst v63  }
0x1c1: {  	_ =	swait.ge [sflag:s14], $0xC000  }
0x1c2: {  	s16 =	simm.s32 $0x0;
	[sflag:s14] =	ssyncset.done $0x0  }
0x1c3: {  	s15 =	simm.s32 $0x3;
	s6 =	sand.u32 $0x40, s16;
	[sflag:s14] =	ssyncadd.s32 $0xFFFF4000  }
0x1c4: {  	s17 =	simm.s32 $0x1;
	s19 =	sand.u32 $0x3C00, s12;
	_ =	swait.ge [sflag:s15], $0x4000  }
0x1c5: {  	s16 =	sor.u32 $0x30, s6;
	s18 =	sor.u32 $0x10080, s19;
	[sflag:s15] =	ssyncset.done $0x0  }
0x1c6: {  	s10 =	sor.u32 s16, s19;
	[dreg:$0x3] =	wrdreg s17;
	[sflag:s15] =	ssyncadd.s32 $0xFFFFC000  }
0x1c7: {  	s20 =	sor.u32 s16, s18;
	v0 =	vld [tilespmem:s10+$0xC080]  }
0x1c8: {  	s21 =	sor.u32 $0x14080, s19;
	v1 =	vld [tilespmem:s20+$0x0]  }
0x1c9: {  	s22 =	sor.u32 s16, s21  }
0x1ca: {  	v2 =	vld [tilespmem:s22+$0x0]  }
0x1cb: {  	s8 =	sor.u32 $0x10, s6  }
0x1cc: {  	s11 =	sor.u32 s8, s19  }
0x1cd: {  	s7 =	sor.u32 $0x20, s6;
	s23 =	sor.u32 s8, s18;
	v3 =	vld [tilespmem:s11+$0xC080];
	v0 =	vadd.f32 v1, v0  }
0x1ce: {  	s5 =	sor.u32 s7, s19;
	v1 =	vld [tilespmem:s23+$0x0]  }
0x1cf: {  	s3 =	sor.u32 s8, s21;
	v4 =	vld [tilespmem:s5+$0xC080];
	v0 =	vadd.f32 v2, v0  }
0x1d0: {  	s24 =	sor.u32 s7, s18;
	v5 =	vld [tilespmem:s3+$0x0]  }
0x1d1: {  	s25 =	sor.u32 s7, s21;
	v2 =	vld [tilespmem:s24+$0x0];
	v0 =	vmul.f32 $3.333333430e-01, v0  }
0x1d2: {  	s26 =	sor.u32 $0x10100, s19;
	v6 =	vld [tilespmem:s25+$0x0]  }
0x1d3: {  	s28 =	sor.u32 s16, s26;
	v1 =	vadd.f32 v1, v3;
	[tilespmem:s10+$0x18080] =	vst v0;
	v0 =	vld [tilespmem:s10+$0xC100]  }
0x1d4: {  	s4 =	sor.u32 s6, s19;
	s30 =	sor.u32 $0x14100, s19;
	v3 =	vld [tilespmem:s28+$0x0]  }
0x1d5: {  	s12 =	sor.u32 s16, s30;
	v7 =	vld [tilespmem:s4+$0xC080];
	v1 =	vadd.f32 v5, v1  }
0x1d6: {  	s0 =	sor.u32 s6, s18;
	v2 =	vadd.f32 v2, v4;
	v4 =	vld [tilespmem:s12+$0x0]  }
0x1d7: {  	v5 =	vld [tilespmem:s0+$0x0];
	v1 =	vmul.f32 $3.333333430e-01, v1  }
0x1d8: {  	s2 =	sor.u32 s6, s21;
	v8 =	vld [tilespmem:s11+$0xC100];
	v2 =	vadd.f32 v6, v2  }
0x1d9: {  	s13 =	sor.u32 s8, s26;
	v6 =	vld [tilespmem:s2+$0x0];
	[tilespmem:s11+$0x18080] =	vst v1;
	v0 =	vadd.f32 v3, v0  }
0x1da: {  	v2 =	vmul.f32 $3.333333430e-01, v2;
	v1 =	vld [tilespmem:s13+$0x0]  }
0x1db: {  	s15 =	sor.u32 s8, s30;
	v3 =	vld [tilespmem:s5+$0xC100];
	v0 =	vadd.f32 v4, v0  }
0x1dc: {  	s14 =	sor.u32 s7, s26;
	[tilespmem:s5+$0x18080] =	vst v2;
	v4 =	vadd.f32 v5, v7;
	v5 =	vld [tilespmem:s15+$0x0]  }
0x1dd: {  	s17 =	sor.u32 s7, s30;
	v2 =	vld [tilespmem:s14+$0x0];
	v0 =	vmul.f32 $3.333333430e-01, v0  }
0x1de: {  	s18 =	sor.u32 $0x10180, s19;
	v7 =	vld [tilespmem:s17+$0x0];
	v4 =	vadd.f32 v6, v4  }
0x1df: {  	s20 =	sor.u32 s16, s18;
	v1 =	vadd.f32 v1, v8;
	[tilespmem:s10+$0x18100] =	vst v0;
	v0 =	vld [tilespmem:s10+$0xC180]  }
0x1e0: {  	s21 =	sor.u32 $0x14180, s19;
	v4 =	vmul.f32 $3.333333430e-01, v4;
	v6 =	vld [tilespmem:s20+$0x0]  }
0x1e1: {  	s22 =	sor.u32 s16, s21;
	v8 =	vld [tilespmem:s4+$0xC100];
	v1 =	vadd.f32 v5, v1  }
0x1e2: {  	s1 =	sor.u32 s6, s26;
	v2 =	vadd.f32 v2, v3;
	v3 =	vld [tilespmem:s22+$0x0];
	[tilespmem:s4+$0x18080] =	vst v4  }
0x1e3: {  	v4 =	vld [tilespmem:s1+$0x0];
	v1 =	vmul.f32 $3.333333430e-01, v1  }
0x1e4: {  	s23 =	sor.u32 s6, s30;
	v5 =	vld [tilespmem:s11+$0xC180];
	v2 =	vadd.f32 v7, v2  }
0x1e5: {  	s24 =	sor.u32 s8, s18;
	v7 =	vld [tilespmem:s23+$0x0];
	[tilespmem:s11+$0x18100] =	vst v1;
	v0 =	vadd.f32 v6, v0  }
0x1e6: {  	v2 =	vmul.f32 $3.333333430e-01, v2;
	v1 =	vld [tilespmem:s24+$0x0]  }
0x1e7: {  	s26 =	sor.u32 s8, s21;
	v6 =	vld [tilespmem:s5+$0xC180];
	v0 =	vadd.f32 v3, v0  }
0x1e8: {  	s25 =	sor.u32 s7, s18;
	[tilespmem:s5+$0x18100] =	vst v2;
	v3 =	vadd.f32 v4, v8;
	v4 =	vld [tilespmem:s26+$0x0]  }
0x1e9: {  	s28 =	sor.u32 s7, s21;
	v2 =	vld [tilespmem:s25+$0x0];
	v0 =	vmul.f32 $3.333333430e-01, v0  }
0x1ea: {  	s30 =	sor.u32 $0x10200, s19;
	v8 =	vld [tilespmem:s28+$0x0]  }
0x1eb: {  	s9 =	sor.u32 s16, s30;
	v3 =	vadd.f32 v7, v3;
	v1 =	vadd.f32 v1, v5;
	[tilespmem:s10+$0x18180] =	vst v0;
	v0 =	vld [tilespmem:s10+$0xC200]  }
0x1ec: {  	s13 =	sor.u32 $0x14200, s19;
	v5 =	vld [tilespmem:s9+$0x0]  }
0x1ed: {  	s12 =	sor.u32 s16, s13;
	v7 =	vld [tilespmem:s4+$0xC180];
	v3 =	vmul.f32 $3.333333430e-01, v3;
	v1 =	vadd.f32 v4, v1  }
0x1ee: {  	v2 =	vadd.f32 v2, v6;
	v4 =	vld [tilespmem:s12+$0x0]  }
0x1ef: {  	s0 =	sor.u32 s6, s18;
	v6 =	vld [tilespmem:s11+$0xC200];
	[tilespmem:s4+$0x18100] =	vst v3;
	v1 =	vmul.f32 $3.333333430e-01, v1  }
0x1f0: {  	s3 =	sor.u32 s6, s21;
	v2 =	vadd.f32 v8, v2;
	v8 =	vld [tilespmem:s0+$0x0]  }
0x1f1: {  	s14 =	sor.u32 s8, s30;
	s2 =	rddreg [dreg:$0x3];
	[tilespmem:s11+$0x18180] =	vst v1;
	v0 =	vadd.f32 v5, v0;
	v5 =	vld [tilespmem:s3+$0x0]  }
0x1f2: {  	p0 =	por $0x0, $0x0;
	v2 =	vmul.f32 $3.333333430e-01, v2;
	v1 =	vld [tilespmem:s14+$0x0]  }
0x1f3: {  	s17 =	sor.u32 s8, s13;
	v3 =	vld [tilespmem:s5+$0xC200];
	s2 =	simm.s32 @!p0 $0x0;
	v0 =	vadd.f32 v4, v0  }
0x1f4: {  	s15 =	sor.u32 s7, s30;
	s2 =	sshll.u32 s2, $0x6;
	[tilespmem:s5+$0x18180] =	vst v2;
	v4 =	vld [tilespmem:s17+$0x0]  }
0x1f5: {  	s9 =	sadd.s32 $0x0, s2;
	v2 =	vld [tilespmem:s15+$0x0];
	v7 =	vadd.f32 v8, v7;
	v0 =	vmul.f32 $3.333333430e-01, v0  }
0x1f6: {  	s18 =	sor.u32 s7, s13;
	s12 =	sadd.s32 $0x30, s9  }
0x1f7: {  	s0 =	sor.u32 $0x10280, s19;
	v8 =	vld [tilespmem:s18+$0x0];
	s20 =	sor.u32 $0x200, s12;
	v1 =	vadd.f32 v1, v6;
	[tilespmem:s10+$0x18200] =	vst v0;
	v0 =	vadd.f32 v5, v7  }
0x1f8: {  	s23 =	sor.u32 s16, s0;
	s14 =	sor.u32 $0x14280, s19;
	v5 =	vld [tilespmem:s20+$0xC080]  }
0x1f9: {  	s24 =	sor.u32 s16, s14;
	v6 =	vld [tilespmem:s23+$0x0];
	v1 =	vadd.f32 v4, v1;
	v0 =	vmul.f32 $3.333333430e-01, v0  }
0x1fa: {  	v2 =	vadd.f32 v2, v3;
	v3 =	vld [tilespmem:s24+$0x0]  }
0x1fb: {  	s1 =	sor.u32 s6, s30;
	v4 =	vld [tilespmem:s4+$0xC200];
	v1 =	vmul.f32 $3.333333430e-01, v1;
	[tilespmem:s4+$0x18180] =	vst v0  }
0x1fc: {  	s25 =	sor.u32 s6, s13;
	s10 =	sadd.s32 $0x10, s9;
	v0 =	vadd.f32 v8, v2;
	v2 =	vld [tilespmem:s1+$0x0]  }
0x1fd: {  	s26 =	sor.u32 $0x200, s10;
	v7 =	vld [tilespmem:s25+$0x0];
	[tilespmem:s11+$0x18200] =	vst v1  }
0x1fe: {  	s22 =	sor.u32 s8, s14;
	v0 =	vmul.f32 $3.333333430e-01, v0;
	v1 =	vadd.f32 v6, v5;
	v5 =	vld [tilespmem:s26+$0xC080]  }
0x1ff: {  	s28 =	sor.u32 s8, s0;
	s11 =	sadd.s32 $0x20, s9;
	v6 =	vld [tilespmem:s22+$0x0]  }
0x200: {  	s30 =	sor.u32 $0x200, s11;
	[tilespmem:s5+$0x18200] =	vst v0;
	v0 =	vld [tilespmem:s28+$0x0];
	v1 =	vadd.f32 v3, v1  }
0x201: {  	s21 =	sor.u32 s7, s0;
	v3 =	vld [tilespmem:s30+$0xC080];
	v2 =	vadd.f32 v2, v4  }
0x202: {  	v4 =	vld [tilespmem:s21+$0x0];
	v1 =	vmul.f32 $3.333333430e-01, v1  }
0x203: {  	s23 =	sor.u32 s7, s14;
	v2 =	vadd.f32 v7, v2  }
0x204: {  	s17 =	sor.u32 $0x280, s12;
	s24 =	sor.u32 $0x10300, s19;
	v7 =	vld [tilespmem:s23+$0x0];
	[tilespmem:s20+$0x18080] =	vst v1  }
0x205: {  	s15 =	sor.u32 $0x14300, s19;
	s18 =	sor.u32 s16, s24;
	v1 =	vld [tilespmem:s17+$0xC080];
	v0 =	vadd.f32 v0, v5;
	v2 =	vmul.f32 $3.333333430e-01, v2  }
0x206: {  	s20 =	sor.u32 s16, s15;
	v5 =	vld [tilespmem:s18+$0x0]  }
0x207: {  	s21 =	sor.u32 $0x200, s9;
	v0 =	vadd.f32 v6, v0;
	[tilespmem:s4+$0x18200] =	vst v2;
	v2 =	vadd.f32 v4, v3;
	v3 =	vld [tilespmem:s20+$0x0]  }
0x208: {  	s0 =	sor.u32 s6, s0;
	v4 =	vld [tilespmem:s21+$0xC080]  }
0x209: {  	v6 =	vld [tilespmem:s0+$0x0];
	v0 =	vmul.f32 $3.333333430e-01, v0;
	v2 =	vadd.f32 v7, v2  }
0x20a: {  	s22 =	sor.u32 s6, s14  }
0x20b: {  	s23 =	sor.u32 $0x280, s10;
	v1 =	vadd.f32 v5, v1;
	v5 =	vld [tilespmem:s22+$0x0];
	[tilespmem:s26+$0x18080] =	vst v0;
	v2 =	vmul.f32 $3.333333430e-01, v2  }
0x20c: {  	s26 =	sor.u32 s8, s24;
	v0 =	vld [tilespmem:s23+$0xC080]  }
0x20d: {  	s28 =	sor.u32 s8, s15;
	v1 =	vadd.f32 v3, v1;
	[tilespmem:s30+$0x18080] =	vst v2;
	v2 =	vld [tilespmem:s26+$0x0]  }
0x20e: {  	s0 =	sor.u32 $0x280, s11;
	v3 =	vadd.f32 v6, v4;
	v4 =	vld [tilespmem:s28+$0x0]  }
0x20f: {  	s13 =	sor.u32 s7, s15;
	v6 =	vld [tilespmem:s0+$0xC080];
	v1 =	vmul.f32 $3.333333430e-01, v1  }
0x210: {  	s30 =	sor.u32 s7, s24;
	v7 =	vld [tilespmem:s13+$0x0];
	v3 =	vadd.f32 v5, v3  }
0x211: {  	s1 =	sor.u32 $0x300, s12;
	s26 =	sor.u32 $0x10380, s19;
	v5 =	vld [tilespmem:s30+$0x0];
	[tilespmem:s17+$0x18080] =	vst v1  }
0x212: {  	s25 =	sor.u32 $0x14380, s19;
	s4 =	sor.u32 s16, s26;
	v1 =	vld [tilespmem:s1+$0xC080];
	v3 =	vmul.f32 $3.333333430e-01, v3  }
0x213: {  	s14 =	sor.u32 s16, s25;
	v0 =	vadd.f32 v2, v0;
	v2 =	vld [tilespmem:s4+$0x0];
	s4 =	simm.s32 $0x40  }
0x214: {  	s5 =	simm.s32 $0x200;
	s18 =	sor.u32 s6, s24;
	[tilespmem:s21+$0x18080] =	vst v3;
	v3 =	vld [tilespmem:s14+$0x0];
	s13 =	sand.u32 $0x40, s4  }
0x215: {  	s20 =	sor.u32 s6, s15;
	s15 =	sand.u32 $0x3C00, s5;
	v8 =	vld [tilespmem:s18+$0x0];
	s14 =	sor.u32 $0x30, s13  }
0x216: {  	s3 =	sor.u32 $0x14080, s15;
	v9 =	vld [tilespmem:s20+$0x0];
	s24 =	sor.u32 s14, s15  }
0x217: {  	s2 =	sor.u32 $0x10080, s15;
	v0 =	vadd.f32 v4, v0;
	s17 =	sor.u32 $0x10, s13;
	s22 =	sor.u32 s14, s3;
	v10 =	vld [tilespmem:s24+$0xC080]  }
0x218: {  	s28 =	sor.u32 s17, s2;
	v11 =	vld [tilespmem:s22+$0x0]  }
0x219: {  	v5 =	vadd.f32 v5, v6;
	v0 =	vmul.f32 $3.333333430e-01, v0;
	v6 =	vld [tilespmem:s28+$0x0]  }
0x21a: {  	s21 =	sor.u32 s14, s2;
	v46 =	vld [tilespmem:s24+$0xC200]  }
0x21b: {  	s18 =	sor.u32 s8, s26;
	[tilespmem:s23+$0x18080] =	vst v0;
	v0 =	vld [tilespmem:s21+$0x0]  }
0x21c: {  	s23 =	sor.u32 s8, s25;
	v4 =	vld [tilespmem:s18+$0x0]  }
0x21d: {  	v1 =	vadd.f32 v2, v1;
	s21 =	sor.u32 s17, s15;
	v2 =	vld [tilespmem:s23+$0x0]  }
0x21e: {  	s22 =	sor.u32 s17, s3;
	v37 =	vld [tilespmem:s21+$0xC080]  }
0x21f: {  	v1 =	vadd.f32 v3, v1;
	v3 =	vadd.f32 v7, v5;
	v7 =	vld [tilespmem:s22+$0x0]  }
0x220: {  	s18 =	sor.u32 $0x20, s13;
	v39 =	vld [tilespmem:s21+$0xC100]  }
0x221: {  	v44 =	vld [tilespmem:s21+$0xC180];
	s30 =	sor.u32 s18, s2  }
0x222: {  	s22 =	sor.u32 s18, s15;
	v5 =	vld [tilespmem:s30+$0x0];
	v0 =	vadd.f32 v0, v10  }
0x223: {  	v1 =	vmul.f32 $3.333333430e-01, v1;
	v40 =	vld [tilespmem:s22+$0xC100]  }
0x224: {  	s20 =	sadd.s32 $0x10400, s19;
	v45 =	vld [tilespmem:s22+$0xC180];
	v10 =	vadd.f32 v11, v0  }
0x225: {  	s23 =	sor.u32 s16, s20;
	[tilespmem:s1+$0x18080] =	vst v1;
	v1 =	vmul.f32 $3.333333430e-01, v3;
	v11 =	vld [tilespmem:s22+$0xC080]  }
0x226: {  	s28 =	sor.u32 s18, s3;
	v0 =	vld [tilespmem:s23+$0x0];
	v10 =	vmul.f32 $3.333333430e-01, v10  }
0x227: {  	s30 =	sor.u32 s7, s26;
	s1 =	sor.u32 $0x10100, s15;
	[tilespmem:s0+$0x18080] =	vst v1;
	v1 =	vld [tilespmem:s28+$0x0]  }
0x228: {  	s23 =	sor.u32 s14, s1;
	v3 =	vld [tilespmem:s30+$0x0];
	[tilespmem:s24+$0x18080] =	vst v10  }
0x229: {  	v6 =	vadd.f32 v6, v37;
	v10 =	vld [tilespmem:s23+$0x0]  }
0x22a: {  	s28 =	sor.u32 s13, s2;
	s2 =	sor.u32 $0x14100, s15;
	v5 =	vadd.f32 v5, v11;
	v11 =	vld [tilespmem:s24+$0xC100]  }
0x22b: {  	v6 =	vadd.f32 v7, v6;
	v7 =	vld [tilespmem:s28+$0x0];
	s30 =	sor.u32 s14, s2  }
0x22c: {  	v38 =	vld [tilespmem:s30+$0x0];
	s23 =	sor.u32 s13, s3  }
0x22d: {  	v1 =	vadd.f32 v1, v5;
	v5 =	vmul.f32 $3.333333430e-01, v6;
	v6 =	vld [tilespmem:s23+$0x0];
	s23 =	sor.u32 s13, s15  }
0x22e: {  	v13 =	vld [tilespmem:s23+$0xC080]  }
0x22f: {  	v48 =	vld [tilespmem:s22+$0xC200];
	s0 =	sor.u32 $0x280, s9;
	v1 =	vmul.f32 $3.333333430e-01, v1;
	v10 =	vadd.f32 v10, v11  }
0x230: {  	s3 =	sor.u32 s7, s25;
	[tilespmem:s21+$0x18080] =	vst v5;
	v11 =	vld [tilespmem:s0+$0xC080]  }
0x231: {  	s28 =	sor.u32 s17, s1;
	v42 =	vld [tilespmem:s3+$0x0];
	[tilespmem:s22+$0x18080] =	vst v1;
	v1 =	vadd.f32 v38, v10  }
0x232: {  	s30 =	sor.u32 s18, s1;
	v5 =	vld [tilespmem:s28+$0x0]  }
0x233: {  	s28 =	sor.u32 s17, s2;
	v14 =	vld [tilespmem:s30+$0x0];
	v7 =	vadd.f32 v7, v13;
	v1 =	vmul.f32 $3.333333430e-01, v1  }
0x234: {  	v10 =	vld [tilespmem:s28+$0x0];
	s30 =	sor.u32 s18, s2;
	s28 =	sor.u32 $0x10180, s15  }
0x235: {  	v15 =	vld [tilespmem:s30+$0x0];
	s30 =	sor.u32 s14, s28;
	v8 =	vadd.f32 v8, v11;
	v6 =	vadd.f32 v6, v7;
	[tilespmem:s24+$0x18100] =	vst v1  }
0x236: {  	s19 =	sadd.s32 $0x14400, s19;
	v7 =	vld [tilespmem:s30+$0x0]  }
0x237: {  	v8 =	vadd.f32 v9, v8;
	s30 =	sor.u32 s16, s19;
	v6 =	vmul.f32 $3.333333430e-01, v6;
	v9 =	vld [tilespmem:s24+$0xC180];
	s16 =	sor.u32 $0x14180, s15  }
0x238: {  	v1 =	vld [tilespmem:s30+$0x0];
	s30 =	sor.u32 s14, s16  }
0x239: {  	s1 =	sor.u32 s13, s1;
	v5 =	vadd.f32 v5, v39;
	v11 =	vld [tilespmem:s30+$0x0];
	v8 =	vmul.f32 $3.333333430e-01, v8;
	[tilespmem:s23+$0x18080] =	vst v6  }
0x23a: {  	v6 =	vadd.f32 v14, v40;
	v41 =	vld [tilespmem:s1+$0x0]  }
0x23b: {  	v10 =	vadd.f32 v10, v5;
	[tilespmem:s0+$0x18080] =	vst v8;
	v8 =	vld [tilespmem:s23+$0xC100]  }
0x23c: {  	v17 =	vld [tilespmem:s23+$0xC180];
	s2 =	sor.u32 s13, s2;
	v6 =	vadd.f32 v15, v6  }
0x23d: {  	v10 =	vmul.f32 $3.333333430e-01, v10;
	s1 =	sor.u32 s6, s26;
	v7 =	vadd.f32 v7, v9;
	v9 =	vld [tilespmem:s2+$0x0]  }
0x23e: {  	s0 =	sor.u32 $0x300, s10;
	v5 =	vld [tilespmem:s1+$0x0];
	v6 =	vmul.f32 $3.333333430e-01, v6  }
0x23f: {  	s26 =	sor.u32 s17, s28;
	[tilespmem:s21+$0x18100] =	vst v10;
	v43 =	vld [tilespmem:s0+$0xC080];
	v7 =	vadd.f32 v11, v7  }
0x240: {  	s30 =	sor.u32 s18, s28;
	v10 =	vld [tilespmem:s26+$0x0];
	[tilespmem:s22+$0x18100] =	vst v6;
	v6 =	vadd.f32 v41, v8  }
0x241: {  	s2 =	sor.u32 s17, s16;
	v8 =	vld [tilespmem:s30+$0x0];
	v7 =	vmul.f32 $3.333333430e-01, v7  }
0x242: {  	s3 =	sor.u32 s18, s16;
	v11 =	vld [tilespmem:s2+$0x0];
	s2 =	sor.u32 $0x10200, s15;
	v6 =	vadd.f32 v9, v6  }
0x243: {  	s1 =	sor.u32 $0x14200, s15;
	s26 =	sor.u32 s14, s2;
	v9 =	vld [tilespmem:s3+$0x0];
	[tilespmem:s24+$0x18180] =	vst v7  }
0x244: {  	v4 =	vadd.f32 v4, v43;
	v7 =	vld [tilespmem:s26+$0x0];
	s26 =	sor.u32 s14, s1;
	v6 =	vmul.f32 $3.333333430e-01, v6  }
0x245: {  	v10 =	vadd.f32 v10, v44;
	s3 =	sor.u32 $0x300, s11;
	v16 =	vld [tilespmem:s26+$0x0]  }
0x246: {  	s30 =	sor.u32 s13, s28;
	v2 =	vadd.f32 v2, v4;
	v4 =	vadd.f32 v8, v45;
	v8 =	vld [tilespmem:s3+$0xC080];
	[tilespmem:s23+$0x18100] =	vst v6  }
0x247: {  	s28 =	sor.u32 s13, s16;
	v10 =	vadd.f32 v11, v10;
	v6 =	vld [tilespmem:s30+$0x0]  }
0x248: {  	v2 =	vmul.f32 $3.333333430e-01, v2;
	v47 =	vld [tilespmem:s28+$0x0]  }
0x249: {  	v10 =	vmul.f32 $3.333333430e-01, v10;
	s30 =	sor.u32 s6, s25;
	v4 =	vadd.f32 v9, v4;
	v9 =	vld [tilespmem:s21+$0xC200];
	v7 =	vadd.f32 v7, v46  }
0x24a: {  	s25 =	sor.u32 s8, s20;
	[tilespmem:s0+$0x18080] =	vst v2;
	v11 =	vld [tilespmem:s30+$0x0]  }
0x24b: {  	s26 =	sor.u32 s17, s2;
	s0 =	rddreg [dreg:$0x3];
	[tilespmem:s21+$0x18180] =	vst v10;
	v2 =	vld [tilespmem:s25+$0x0];
	v4 =	vmul.f32 $3.333333430e-01, v4;
	v7 =	vadd.f32 v16, v7;
	v3 =	vadd.f32 v3, v8  }
0x24c: {  	p0 =	por !p0, !p0;
	v10 =	vld [tilespmem:s26+$0x0];
	s30 =	sor.u32 s17, s1  }
0x24d: {  	s0 =	simm.s32 @!p0 $0x0;
	s25 =	sor.u32 s18, s1;
	v49 =	vld [tilespmem:s30+$0x0];
	[tilespmem:s22+$0x18180] =	vst v4;
	v6 =	vadd.f32 v6, v17;
	v7 =	vmul.f32 $3.333333430e-01, v7;
	v3 =	vadd.f32 v42, v3  }
0x24e: {  	s28 =	sor.u32 s18, s2;
	s26 =	sshll.u32 s0, $0x6;
	s0 =	sor.u32 $0x10280, s15;
	v50 =	vld [tilespmem:s25+$0x0]  }
0x24f: {  	v4 =	vadd.f32 v47, v6;
	v6 =	vld [tilespmem:s28+$0x0];
	[tilespmem:s24+$0x18200] =	vst v7;
	s28 =	sor.u32 s14, s0;
	v3 =	vmul.f32 $3.333333430e-01, v3  }
0x250: {  	v7 =	vld [tilespmem:s28+$0x0]  }
0x251: {  	v4 =	vmul.f32 $3.333333430e-01, v4;
	[tilespmem:s3+$0x18080] =	vst v3;
	s3 =	sor.u32 s7, s20;
	v3 =	vld [tilespmem:s23+$0xC200]  }
0x252: {  	s25 =	sadd.s32 $0x200, s26;
	v52 =	vld [tilespmem:s3+$0x0];
	s3 =	sor.u32 $0x300, s9  }
0x253: {  	s2 =	sor.u32 s13, s2;
	v8 =	vadd.f32 v10, v9;
	s24 =	sadd.s32 $0x30, s25;
	[tilespmem:s23+$0x18180] =	vst v4;
	v53 =	vld [tilespmem:s3+$0xC080]  }
0x254: {  	v4 =	vld [tilespmem:s2+$0x0];
	s2 =	sor.u32 $0x200, s24;
	v6 =	vadd.f32 v6, v48  }
0x255: {  	s16 =	sor.u32 $0x14280, s15;
	s1 =	sor.u32 s13, s1;
	v8 =	vadd.f32 v49, v8;
	v9 =	vld [tilespmem:s2+$0xC080]  }
0x256: {  	s30 =	sor.u32 s14, s16;
	v51 =	vld [tilespmem:s1+$0x0];
	v6 =	vadd.f32 v50, v6  }
0x257: {  	v10 =	vld [tilespmem:s30+$0x0];
	v8 =	vmul.f32 $3.333333430e-01, v8  }
0x258: {  	v6 =	vmul.f32 $3.333333430e-01, v6;
	v5 =	vadd.f32 v5, v53  }
0x259: {  	[tilespmem:s21+$0x18200] =	vst v8;
	s21 =	sor.u32 s17, s0;
	v3 =	vadd.f32 v4, v3  }
0x25a: {  	s26 =	sadd.s32 $0x10, s25;
	s28 =	sor.u32 s17, s16;
	v7 =	vadd.f32 v7, v9;
	[tilespmem:s22+$0x18200] =	vst v6;
	v6 =	vld [tilespmem:s21+$0x0];
	v5 =	vadd.f32 v11, v5  }
0x25b: {  	v9 =	vld [tilespmem:s28+$0x0];
	s21 =	sor.u32 $0x200, s26;
	v3 =	vadd.f32 v51, v3  }
0x25c: {  	s22 =	sor.u32 s18, s0;
	v4 =	vld [tilespmem:s21+$0xC080];
	v7 =	vadd.f32 v10, v7;
	v5 =	vmul.f32 $3.333333430e-01, v5  }
0x25d: {  	s30 =	sor.u32 s18, s16;
	v8 =	vld [tilespmem:s22+$0x0];
	v3 =	vmul.f32 $3.333333430e-01, v3  }
0x25e: {  	s9 =	sor.u32 $0x380, s9;
	s28 =	sadd.s32 $0x20, s25;
	v10 =	vld [tilespmem:s30+$0x0];
	v7 =	vmul.f32 $3.333333430e-01, v7;
	[tilespmem:s3+$0x18080] =	vst v5  }
0x25f: {  	s22 =	sor.u32 $0x200, s28;
	[tilespmem:s23+$0x18200] =	vst v3;
	v62 =	vld [tilespmem:s9+$0xC080]  }
0x260: {  	s29 =	sor.u32 $0x10300, s15;
	s0 =	sor.u32 s13, s0;
	[tilespmem:s2+$0x18080] =	vst v7;
	v7 =	vld [tilespmem:s22+$0xC080]  }
0x261: {  	s2 =	sor.u32 s14, s29;
	v4 =	vadd.f32 v6, v4;
	v6 =	vld [tilespmem:s0+$0x0]  }
0x262: {  	s30 =	sor.u32 $0x280, s24;
	v54 =	vld [tilespmem:s2+$0x0]  }
0x263: {  	s1 =	sor.u32 $0x14300, s15;
	s0 =	sor.u32 $0x200, s25;
	v11 =	vld [tilespmem:s30+$0xC080]  }
0x264: {  	s2 =	sor.u32 s14, s1;
	v55 =	vld [tilespmem:s0+$0xC080]  }
0x265: {  	s23 =	sor.u32 s13, s16;
	v3 =	vld [tilespmem:s2+$0x0];
	v4 =	vadd.f32 v9, v4  }
0x266: {  	s3 =	sor.u32 s6, s20;
	v5 =	vld [tilespmem:s23+$0x0];
	v7 =	vadd.f32 v8, v7  }
0x267: {  	v4 =	vmul.f32 $3.333333430e-01, v4;
	v8 =	vld [tilespmem:s3+$0x0];
	s3 =	sor.u32 $0x380, s10  }
0x268: {  	s2 =	sor.u32 $0x380, s12;
	v9 =	vadd.f32 v54, v11;
	v60 =	vld [tilespmem:s3+$0xC080];
	v7 =	vadd.f32 v10, v7  }
0x269: {  	s12 =	sor.u32 $0x280, s26;
	[tilespmem:s21+$0x18080] =	vst v4;
	v10 =	vld [tilespmem:s2+$0xC080]  }
0x26a: {  	s16 =	sor.u32 s8, s19;
	v6 =	vadd.f32 v6, v55;
	v3 =	vadd.f32 v3, v9;
	v9 =	vld [tilespmem:s12+$0xC080];
	v4 =	vmul.f32 $3.333333430e-01, v7  }
0x26b: {  	s20 =	sor.u32 s17, s29;
	v7 =	vld [tilespmem:s16+$0x0]  }
0x26c: {  	s21 =	sor.u32 s18, s29;
	v5 =	vadd.f32 v5, v6;
	v3 =	vmul.f32 $3.333333430e-01, v3;
	[tilespmem:s22+$0x18080] =	vst v4;
	v4 =	vld [tilespmem:s20+$0x0]  }
0x26d: {  	s16 =	sor.u32 $0x10380, s15;
	s22 =	sor.u32 s17, s1;
	v6 =	vld [tilespmem:s21+$0x0]  }
0x26e: {  	s23 =	sor.u32 s14, s16;
	v11 =	vld [tilespmem:s22+$0x0];
	[tilespmem:s30+$0x18080] =	vst v3;
	v3 =	vmul.f32 $3.333333430e-01, v5  }
0x26f: {  	v5 =	vld [tilespmem:s23+$0x0];
	s23 =	sor.u32 $0x300, s24  }
0x270: {  	[tilespmem:s0+$0x18080] =	vst v3;
	s0 =	sor.u32 $0x280, s28;
	v58 =	vld [tilespmem:s23+$0xC080]  }
0x271: {  	s30 =	sor.u32 s18, s1;
	s21 =	sor.u32 $0x14380, s15;
	v59 =	vld [tilespmem:s0+$0xC080]  }
0x272: {  	v56 =	vld [tilespmem:s30+$0x0];
	s20 =	sor.u32 s14, s21  }
0x273: {  	s22 =	sor.u32 s13, s29;
	v3 =	vld [tilespmem:s20+$0x0];
	v4 =	vadd.f32 v4, v9  }
0x274: {  	s10 =	sor.u32 $0x280, s25;
	v57 =	vld [tilespmem:s22+$0x0]  }
0x275: {  	s8 =	sor.u32 $0x380, s11;
	v61 =	vld [tilespmem:s10+$0xC080];
	v4 =	vadd.f32 v11, v4  }
0x276: {  	s1 =	sor.u32 s13, s1;
	v9 =	vld [tilespmem:s8+$0xC080];
	v5 =	vadd.f32 v5, v58;
	v6 =	vadd.f32 v6, v59  }
0x277: {  	v0 =	vadd.f32 v0, v10;
	s30 =	sor.u32 s7, s19;
	v11 =	vld [tilespmem:s1+$0x0];
	v4 =	vmul.f32 $3.333333430e-01, v4  }
0x278: {  	s6 =	sor.u32 s6, s19;
	v18 =	vld [tilespmem:s30+$0x0];
	v3 =	vadd.f32 v3, v5;
	v5 =	vadd.f32 v56, v6  }
0x279: {  	v2 =	vadd.f32 v2, v60;
	v0 =	vadd.f32 v1, v0;
	s22 =	sor.u32 $0x300, s26;
	[tilespmem:s12+$0x18080] =	vst v4;
	v4 =	vld [tilespmem:s6+$0x0]  }
0x27a: {  	s7 =	sor.u32 s17, s16;
	v10 =	vld [tilespmem:s22+$0xC080];
	v3 =	vmul.f32 $3.333333430e-01, v3;
	v1 =	vmul.f32 $3.333333430e-01, v5;
	v5 =	vadd.f32 v57, v61  }
0x27b: {  	s29 =	sor.u32 $0x380, s24;
	s11 =	sor.u32 s17, s21;
	v7 =	vadd.f32 v7, v2;
	v6 =	vadd.f32 v52, v9;
	v63 =	vld [tilespmem:s7+$0x0];
	s7 =	sadd.s32 $0x10400, s15  }
0x27c: {  	s31 =	sor.u32 s13, s21;
	s24 =	sor.u32 $0x380, s28;
	v2 =	vld [tilespmem:s11+$0x0];
	s19 =	sor.u32 s14, s7;
	[tilespmem:s23+$0x18080] =	vst v3;
	v3 =	vadd.f32 v8, v62;
	v9 =	vadd.f32 v11, v5  }
0x27d: {  	s20 =	sor.u32 $0x300, s28;
	v7 =	vmul.f32 $3.333333430e-01, v7;
	s12 =	sor.u32 s18, s16;
	v8 =	vmul.f32 $3.333333430e-01, v0;
	s23 =	sadd.s32 $0x14400, s15;
	[tilespmem:s0+$0x18080] =	vst v1;
	v0 =	vld [tilespmem:s19+$0x0]  }
0x27e: {  	s1 =	sor.u32 s13, s16;
	s16 =	sor.u32 $0x380, s26;
	s30 =	sor.u32 s14, s23;
	v5 =	vld [tilespmem:s12+$0x0];
	v11 =	vadd.f32 v4, v3;
	v4 =	vmul.f32 $3.333333430e-01, v9  }
0x27f: {  	[tilespmem:s3+$0x18080] =	vst v7;
	s26 =	sor.u32 $0x380, s25;
	v6 =	vadd.f32 v18, v6;
	s0 =	sor.u32 s18, s21;
	s21 =	sor.u32 s17, s7;
	v1 =	vld [tilespmem:s30+$0x0]  }
0x280: {  	s19 =	sor.u32 s18, s7;
	s7 =	sor.u32 s13, s7;
	s14 =	sor.u32 s17, s23;
	[tilespmem:s10+$0x18080] =	vst v4;
	v4 =	vld [tilespmem:s29+$0xC080]  }
0x281: {  	s6 =	sor.u32 s18, s23;
	v6 =	vmul.f32 $3.333333430e-01, v6;
	[tilespmem:s2+$0x18080] =	vst v8;
	s2 =	sor.u32 s13, s23;
	s23 =	sor.u32 $0x300, s25;
	v3 =	vld [tilespmem:s20+$0xC080];
	v8 =	vadd.f32 v63, v10;
	v7 =	vmul.f32 $3.333333430e-01, v11  }
.LBB2_3:
0x282: {  	s4 =	sadd.s32 $0x40, s4;
	v9 =	vld [tilespmem:s23+$0xC080]  }
0x283: {  	s5 =	sadd.s32 $0x200, s5;
	[tilespmem:s8+$0x18080] =	vst v6;
	s11 =	sand.u32 $0x40, s4;
	v6 =	vld [tilespmem:s1+$0x0]  }
0x284: {  	[dreg:$0xb] =	wrdreg s14;
	[tilespmem:s9+$0x18080] =	vst v7;
	s14 =	sand.u32 $0x3C00, s5;
	s12 =	sor.u32 $0x30, s11;
	v7 =	vld [tilespmem:s0+$0x0];
	v2 =	vadd.f32 v2, v8  }
0x285: {  	s9 =	smov.u32 s26;
	s10 =	sor.u32 $0x10080, s14;
	s26 =	sor.u32 s12, s14;
	v0 =	vadd.f32 v0, v4;
	v4 =	vld [tilespmem:s31+$0x0]  }
0x286: {  	s3 =	sor.u32 $0x14080, s14;
	s30 =	sor.u32 s12, s10;
	v3 =	vadd.f32 v5, v3;
	v5 =	vld [tilespmem:s26+$0xC080];
	v2 =	vmul.f32 $3.333333430e-01, v2  }
0x287: {  	s13 =	sor.u32 $0x10, s11;
	s8 =	sor.u32 s12, s3;
	v0 =	vadd.f32 v1, v0;
	v1 =	vld [tilespmem:s30+$0x0]  }
0x288: {  	s17 =	smov.u32 s24;
	s24 =	sor.u32 s13, s14;
	v8 =	vld [tilespmem:s8+$0x0];
	[tilespmem:s22+$0x18080] =	vst v2  }
0x289: {  	s15 =	sor.u32 $0x20, s11;
	s28 =	sor.u32 s13, s10;
	v6 =	vadd.f32 v6, v9;
	v2 =	vld [tilespmem:s24+$0xC080]  }
0x28a: {  	[dreg:$0x13] =	wrdreg s6;
	s6 =	sor.u32 s15, s10;
	v3 =	vadd.f32 v7, v3;
	v0 =	vmul.f32 $3.333333430e-01, v0;
	v7 =	vld [tilespmem:s28+$0x0]  }
0x28b: {  	s25 =	sor.u32 s15, s14;
	v4 =	vadd.f32 v4, v6;
	v6 =	vld [tilespmem:s6+$0x0]  }
0x28c: {  	s18 =	sor.u32 s11, s14;
	v3 =	vmul.f32 $3.333333430e-01, v3;
	[tilespmem:s29+$0x18080] =	vst v0;
	v0 =	vld [tilespmem:s25+$0xC080];
	v1 =	vadd.f32 v1, v5  }
0x28d: {  	s0 =	sor.u32 s11, s10;
	v4 =	vmul.f32 $3.333333430e-01, v4;
	v5 =	vld [tilespmem:s18+$0xC080]  }
0x28e: {  	[dreg:$0x10] =	wrdreg s9;
	s9 =	sor.u32 s13, s3;
	[tilespmem:s20+$0x18080] =	vst v3;
	v3 =	vld [tilespmem:s0+$0x0];
	v1 =	vadd.f32 v8, v1  }
0x28f: {  	s10 =	sor.u32 s11, s3;
	s3 =	sor.u32 s15, s3;
	[tilespmem:s23+$0x18080] =	vst v4;
	v4 =	vld [tilespmem:s9+$0x0]  }
0x290: {  	v2 =	vadd.f32 v7, v2;
	v7 =	vld [tilespmem:s3+$0x0];
	v1 =	vmul.f32 $3.333333430e-01, v1  }
0x291: {  	s22 =	sor.u32 $0x10100, s14;
	v8 =	vld [tilespmem:s10+$0x0]  }
0x292: {  	s30 =	sor.u32 s12, s22;
	[tilespmem:s26+$0x18080] =	vst v1;
	v1 =	vld [tilespmem:s26+$0xC100]  }
0x293: {  	[dreg:$0x6] =	wrdreg s4;
	p1 =	slt.u32 s4, $0x7C0;
	s4 =	sor.u32 $0x14100, s14;
	v0 =	vadd.f32 v6, v0;
	v3 =	vadd.f32 v3, v5;
	v5 =	vld [tilespmem:s30+$0x0]  }
0x294: {  	s9 =	sor.u32 s12, s4;
	v2 =	vadd.f32 v4, v2  }
0x295: {  	v6 =	vld [tilespmem:s9+$0x0];
	v0 =	vadd.f32 v7, v0  }
0x296: {  	v4 =	vld [tilespmem:s24+$0xC100];
	v3 =	vadd.f32 v8, v3;
	v2 =	vmul.f32 $3.333333430e-01, v2  }
0x297: {  	v7 =	vld [tilespmem:s25+$0xC100];
	v0 =	vmul.f32 $3.333333430e-01, v0  }
0x298: {  	s23 =	sor.u32 s13, s22;
	v8 =	vld [tilespmem:s18+$0xC100];
	v3 =	vmul.f32 $3.333333430e-01, v3;
	[tilespmem:s24+$0x18080] =	vst v2;
	v1 =	vadd.f32 v5, v1  }
0x299: {  	s28 =	sor.u32 s15, s22;
	v5 =	vld [tilespmem:s23+$0x0];
	[tilespmem:s25+$0x18080] =	vst v0  }
0x29a: {  	s0 =	sor.u32 s11, s22;
	[tilespmem:s18+$0x18080] =	vst v3;
	v0 =	vld [tilespmem:s28+$0x0];
	v1 =	vadd.f32 v6, v1  }
0x29b: {  	s6 =	sor.u32 s13, s4;
	v3 =	vld [tilespmem:s0+$0x0]  }
0x29c: {  	s8 =	sor.u32 s15, s4;
	v6 =	vld [tilespmem:s6+$0x0];
	v1 =	vmul.f32 $3.333333430e-01, v1  }
0x29d: {  	v9 =	vld [tilespmem:s8+$0x0]  }
0x29e: {  	[dreg:$0xe] =	wrdreg s7;
	s7 =	sor.u32 s11, s4;
	s20 =	sor.u32 $0x10180, s14;
	[tilespmem:s26+$0x18100] =	vst v1;
	v1 =	vld [tilespmem:s26+$0xC180]  }
0x29f: {  	s28 =	sor.u32 s12, s20;
	v4 =	vadd.f32 v5, v4;
	v0 =	vadd.f32 v0, v7;
	v7 =	vld [tilespmem:s7+$0x0]  }
0x2a0: {  	s30 =	sor.u32 $0x14180, s14;
	v5 =	vld [tilespmem:s28+$0x0]  }
0x2a1: {  	v10 =	vld [tilespmem:s24+$0xC200];
	s8 =	sor.u32 s12, s30;
	v4 =	vadd.f32 v6, v4  }
0x2a2: {  	v6 =	vld [tilespmem:s8+$0x0];
	v0 =	vadd.f32 v9, v0  }
0x2a3: {  	v2 =	vld [tilespmem:s24+$0xC180];
	v3 =	vadd.f32 v3, v8;
	v4 =	vmul.f32 $3.333333430e-01, v4  }
0x2a4: {  	v8 =	vld [tilespmem:s25+$0xC180];
	v0 =	vmul.f32 $3.333333430e-01, v0  }
0x2a5: {  	s22 =	sor.u32 s13, s20;
	v9 =	vld [tilespmem:s18+$0xC180];
	v3 =	vadd.f32 v7, v3;
	[tilespmem:s24+$0x18100] =	vst v4;
	v1 =	vadd.f32 v5, v1  }
0x2a6: {  	s23 =	sor.u32 s15, s20;
	v5 =	vld [tilespmem:s22+$0x0];
	[tilespmem:s25+$0x18100] =	vst v0  }
0x2a7: {  	s4 =	sor.u32 s13, s30;
	v0 =	vadd.f32 v6, v1;
	v1 =	vmul.f32 $3.333333430e-01, v3;
	v3 =	vld [tilespmem:s23+$0x0]  }
0x2a8: {  	s6 =	sor.u32 s15, s30;
	v6 =	vld [tilespmem:s4+$0x0]  }
0x2a9: {  	s0 =	sor.u32 s11, s20;
	v0 =	vmul.f32 $3.333333430e-01, v0;
	[tilespmem:s18+$0x18100] =	vst v1;
	v1 =	vld [tilespmem:s6+$0x0]  }
0x2aa: {  	s9 =	sor.u32 $0x10200, s14;
	v7 =	vld [tilespmem:s0+$0x0]  }
0x2ab: {  	s28 =	sor.u32 s12, s9;
	v2 =	vadd.f32 v5, v2;
	[tilespmem:s26+$0x18180] =	vst v0;
	v0 =	vld [tilespmem:s26+$0xC200]  }
0x2ac: {  	s10 =	sor.u32 s11, s30;
	s3 =	sor.u32 s11, s9;
	s30 =	sor.u32 $0x14200, s14;
	v5 =	vld [tilespmem:s28+$0x0];
	v3 =	vadd.f32 v3, v8  }
0x2ad: {  	s20 =	sor.u32 s13, s9;
	s22 =	sor.u32 s15, s9;
	s9 =	sor.u32 s12, s30;
	v2 =	vadd.f32 v6, v2;
	v8 =	vld [tilespmem:s10+$0x0]  }
0x2ae: {  	v6 =	vld [tilespmem:s9+$0x0];
	v1 =	vadd.f32 v1, v3  }
0x2af: {  	v4 =	vld [tilespmem:s25+$0xC200];
	v2 =	vmul.f32 $3.333333430e-01, v2  }
0x2b0: {  	v3 =	vld [tilespmem:s18+$0xC200];
	v7 =	vadd.f32 v7, v9;
	v1 =	vmul.f32 $3.333333430e-01, v1  }
0x2b1: {  	v0 =	vadd.f32 v5, v0;
	v5 =	vld [tilespmem:s16+$0xC080];
	[tilespmem:s24+$0x18180] =	vst v2  }
0x2b2: {  	p0 =	por !p0, !p0;
	s1 =	rddreg [dreg:$0x3];
	v9 =	vld [tilespmem:s20+$0x0];
	[tilespmem:s25+$0x18180] =	vst v1;
	v1 =	vadd.f32 v8, v7  }
0x2b3: {  	s1 =	simm.s32 @!p0 $0x0;
	v2 =	vld [tilespmem:s21+$0x0];
	v0 =	vadd.f32 v6, v0  }
0x2b4: {  	s1 =	sshll.u32 s1, $0x6;
	s4 =	sor.u32 s13, s30;
	v6 =	vld [tilespmem:s22+$0x0];
	v1 =	vmul.f32 $3.333333430e-01, v1  }
0x2b5: {  	s8 =	sadd.s32 s1, s5;
	s6 =	sor.u32 s15, s30;
	v7 =	vld [tilespmem:s4+$0x0];
	v0 =	vmul.f32 $3.333333430e-01, v0  }
0x2b6: {  	s21 =	sadd.s32 $0x30, s8;
	v8 =	vld [tilespmem:s6+$0x0];
	[tilespmem:s18+$0x18180] =	vst v1  }
0x2b7: {  	s23 =	sor.u32 $0x10280, s14;
	s10 =	sor.u32 $0x200, s21;
	[tilespmem:s26+$0x18200] =	vst v0;
	v1 =	vadd.f32 v9, v10;
	v9 =	vld [tilespmem:s3+$0x0]  }
0x2b8: {  	s28 =	sor.u32 $0x14280, s14;
	v0 =	vadd.f32 v2, v5;
	s26 =	sor.u32 s12, s23;
	v5 =	vld [tilespmem:s10+$0xC080]  }
0x2b9: {  	s6 =	sor.u32 s12, s28;
	v4 =	vadd.f32 v6, v4;
	v6 =	vld [tilespmem:s26+$0x0]  }
0x2ba: {  	[dreg:$0x9] =	wrdreg s2;
	s2 =	sor.u32 s11, s30;
	v1 =	vadd.f32 v7, v1;
	v7 =	vld [tilespmem:s6+$0x0]  }
0x2bb: {  	v4 =	vadd.f32 v8, v4;
	v8 =	vld [tilespmem:s2+$0x0]  }
0x2bc: {  	v2 =	vld [tilespmem:s17+$0xC080];
	v1 =	vmul.f32 $3.333333430e-01, v1  }
0x2bd: {  	s20 =	sadd.s32 $0x10, s8;
	v10 =	vld [tilespmem:s19+$0x0];
	s2 =	rddreg [dreg:$0x10]  }
0x2be: {  	s0 =	sor.u32 $0x200, s20;
	v4 =	vmul.f32 $3.333333430e-01, v4;
	v3 =	vadd.f32 v9, v3;
	[tilespmem:s24+$0x18200] =	vst v1;
	v1 =	vadd.f32 v6, v5;
	v5 =	vld [tilespmem:s2+$0xC080]  }
0x2bf: {  	s9 =	sadd.s32 $0x20, s8;
	s4 =	sor.u32 s13, s23;
	v6 =	vld [tilespmem:s0+$0xC080]  }
0x2c0: {  	s1 =	sor.u32 $0x200, s9;
	[tilespmem:s25+$0x18200] =	vst v4;
	v4 =	vld [tilespmem:s4+$0x0];
	v1 =	vadd.f32 v7, v1;
	v3 =	vadd.f32 v8, v3  }
0x2c1: {  	[dreg:$0x14] =	wrdreg s16;
	s16 =	sor.u32 s13, s28;
	v7 =	vld [tilespmem:s1+$0xC080]  }
0x2c2: {  	[dreg:$0x7] =	wrdreg s5;
	s5 =	sor.u32 s15, s23;
	v9 =	vadd.f32 v10, v2;
	v1 =	vmul.f32 $3.333333430e-01, v1;
	v2 =	vmul.f32 $3.333333430e-01, v3;
	v3 =	vld [tilespmem:s16+$0x0]  }
0x2c3: {  	[dreg:$0x12] =	wrdreg s17;
	s17 =	sor.u32 s15, s28;
	v8 =	vld [tilespmem:s5+$0x0]  }
0x2c4: {  	v10 =	vld [tilespmem:s17+$0x0];
	s5 =	sor.u32 $0x280, s21;
	s16 =	sor.u32 $0x10300, s14;
	[tilespmem:s10+$0x18080] =	vst v1  }
0x2c5: {  	s17 =	sor.u32 s12, s16;
	[tilespmem:s18+$0x18200] =	vst v2;
	v1 =	vadd.f32 v4, v6;
	v2 =	vld [tilespmem:s5+$0xC080]  }
0x2c6: {  	s31 =	sor.u32 $0x200, s8;
	s19 =	sor.u32 $0x14300, s14;
	v4 =	vld [tilespmem:s17+$0x0]  }
0x2c7: {  	s25 =	sor.u32 s12, s19;
	v6 =	vld [tilespmem:s31+$0xC080];
	v1 =	vadd.f32 v3, v1  }
0x2c8: {  	s3 =	sor.u32 s11, s23;
	v7 =	vadd.f32 v8, v7;
	v3 =	vld [tilespmem:s25+$0x0]  }
0x2c9: {  	s7 =	sor.u32 s11, s28;
	v8 =	vld [tilespmem:s3+$0x0];
	v1 =	vmul.f32 $3.333333430e-01, v1  }
0x2ca: {  	s4 =	rddreg [dreg:$0xe];
	v7 =	vadd.f32 v10, v7;
	v10 =	vld [tilespmem:s7+$0x0]  }
0x2cb: {  	s7 =	rddreg [dreg:$0xb];
	v2 =	vadd.f32 v4, v2;
	v4 =	vld [tilespmem:s4+$0x0];
	[tilespmem:s0+$0x18080] =	vst v1  }
0x2cc: {  	s30 =	sor.u32 $0x280, s20;
	s28 =	sor.u32 $0x280, s8;
	v7 =	vmul.f32 $3.333333430e-01, v7;
	v1 =	vld [tilespmem:s7+$0x0]  }
0x2cd: {  	s23 =	sor.u32 $0x300, s8;
	s26 =	sor.u32 $0x380, s8;
	s8 =	sor.u32 s13, s16;
	v11 =	vld [tilespmem:s30+$0xC080];
	v2 =	vadd.f32 v3, v2  }
0x2ce: {  	s29 =	sor.u32 $0x280, s9;
	s22 =	sor.u32 $0x300, s20;
	s6 =	sor.u32 $0x380, s20;
	[tilespmem:s1+$0x18080] =	vst v7;
	v3 =	vadd.f32 v8, v6;
	v6 =	vld [tilespmem:s8+$0x0]  }
0x2cf: {  	s20 =	sor.u32 $0x300, s9;
	s24 =	sor.u32 $0x380, s9;
	s9 =	sor.u32 s15, s16;
	v7 =	vld [tilespmem:s29+$0xC080];
	v2 =	vmul.f32 $3.333333430e-01, v2  }
0x2d0: {  	s10 =	sor.u32 s13, s19;
	v8 =	vld [tilespmem:s9+$0x0];
	v3 =	vadd.f32 v10, v3  }
0x2d1: {  	s4 =	sor.u32 $0x300, s21;
	s8 =	sor.u32 $0x10380, s14;
	v5 =	vadd.f32 v4, v5;
	v4 =	vld [tilespmem:s10+$0x0];
	[tilespmem:s5+$0x18080] =	vst v2  }
0x2d2: {  	s9 =	sor.u32 s12, s8;
	v0 =	vadd.f32 v1, v0;
	v1 =	vmul.f32 $3.333333430e-01, v3;
	v2 =	vld [tilespmem:s4+$0xC080]  }
0x2d3: {  	s18 =	sor.u32 s11, s16;
	s16 =	sor.u32 s15, s19;
	s10 =	sor.u32 $0x14380, s14;
	v3 =	vadd.f32 v6, v11;
	v6 =	vld [tilespmem:s9+$0x0]  }
0x2d4: {  	s17 =	sor.u32 s12, s10;
	[tilespmem:s31+$0x18080] =	vst v1;
	v1 =	vld [tilespmem:s16+$0x0]  }
0x2d5: {  	v7 =	vadd.f32 v8, v7;
	v8 =	vld [tilespmem:s17+$0x0];
	v0 =	vmul.f32 $3.333333430e-01, v0  }
0x2d6: {  	s25 =	rddreg [dreg:$0x14];
	v3 =	vadd.f32 v4, v3;
	v4 =	vld [tilespmem:s18+$0x0]  }
0x2d7: {  	s19 =	sor.u32 s11, s19;
	[tilespmem:s25+$0x18080] =	vst v0;
	v0 =	vld [tilespmem:s28+$0xC080]  }
0x2d8: {  	s7 =	sor.u32 s13, s10;
	s16 =	smov.u32 s6;
	s6 =	rddreg [dreg:$0x13];
	v10 =	vld [tilespmem:s19+$0x0];
	v3 =	vmul.f32 $3.333333430e-01, v3;
	v2 =	vadd.f32 v6, v2  }
0x2d9: {  	s0 =	sor.u32 s15, s10;
	s31 =	sor.u32 s11, s10;
	s10 =	rddreg [dreg:$0x9];
	v6 =	vld [tilespmem:s6+$0x0];
	v1 =	vadd.f32 v1, v7  }
0x2da: {  	[tilespmem:s30+$0x18080] =	vst v3;
	v2 =	vadd.f32 v8, v2;
	v7 =	vld [tilespmem:s10+$0x0]  }
0x2db: {  	s5 =	sor.u32 s13, s8;
	v8 =	vld [tilespmem:s22+$0xC080];
	v1 =	vmul.f32 $3.333333430e-01, v1  }
0x2dc: {  	v11 =	vld [tilespmem:s5+$0x0];
	v0 =	vadd.f32 v4, v0;
	v4 =	vmul.f32 $3.333333430e-01, v2  }
0x2dd: {  	s3 =	sor.u32 s15, s8;
	s1 =	sor.u32 s11, s8;
	s8 =	rddreg [dreg:$0x12];
	v2 =	vld [tilespmem:s7+$0x0];
	[tilespmem:s29+$0x18080] =	vst v1  }
.Ltmp1:
0x2de: {  	s17 =	sadd.s32 $0x10400, s14;
	v0 =	vadd.f32 v10, v0;
	[tilespmem:s4+$0x18080] =	vst v4;
	s29 =	sor.u32 $0x380, s21;
	v3 =	vld [tilespmem:s20+$0xC080];
	(pc) =	sbr.rel @p1 .LBB2_3-.Ltmp1, $4  }
0x2df: {  	s9 =	smov.u32 s2;
	s19 =	sor.u32 s15, s17;
	s25 =	sadd.s32 $0x14400, s14;
	v4 =	vld [tilespmem:s29+$0xC080]  }
0x2e0: {  	s18 =	sor.u32 s12, s17;
	s14 =	sor.u32 s13, s25;
	s6 =	sor.u32 s15, s25;
	v1 =	vadd.f32 v6, v9;
	v7 =	vadd.f32 v7, v5;
	v5 =	vld [tilespmem:s3+$0x0];
	v9 =	vmul.f32 $3.333333430e-01, v0  }
0x2e1: {  	s2 =	sor.u32 s11, s25;
	s30 =	sor.u32 s12, s25;
	s5 =	rddreg [dreg:$0x7];
	v0 =	vld [tilespmem:s18+$0x0]  }
0x2e2: {  	s7 =	sor.u32 s11, s17;
	s21 =	sor.u32 s13, s17;
	s4 =	rddreg [dreg:$0x6];
	v6 =	vmul.f32 $3.333333430e-01, v1;
	v8 =	vadd.f32 v11, v8;
	v1 =	vld [tilespmem:s30+$0x0];
	v7 =	vmul.f32 $3.333333430e-01, v7;
	[tilespmem:s28+$0x18080] =	vst v9  }
0x2e3: {  	v11 =	vld [tilespmem:s0+$0x0]  }
0x2e4: {  	v9 =	vld [tilespmem:s23+$0xC080]  }
0x2e5: {  	v10 =	vld [tilespmem:s1+$0x0]  }
0x2e6: {  	v2 =	vadd.f32 v2, v8;
	v3 =	vadd.f32 v5, v3  }
0x2e7: {  	v12 =	vld [tilespmem:s31+$0x0]  }
0x2e8: {  	v2 =	vmul.f32 $3.333333430e-01, v2;
	v3 =	vadd.f32 v11, v3;
	_ =	sdelay $0x1  }
0x2e9: {  	v49 =	vadd.f32 v10, v9;
	[tilespmem:s22+$0x18080] =	vst v2;
	v3 =	vmul.f32 $3.333333430e-01, v3  }
0x2ea: {  	v51 =	vld [tilespmem:s16+$0xC080]  }
0x2eb: {  	v52 =	vld [tilespmem:s21+$0x0];
	v50 =	vadd.f32 v12, v49;
	[tilespmem:s20+$0x18080] =	vst v3  }
0x2ec: {  	v53 =	vld [tilespmem:s24+$0xC080]  }
0x2ed: {  	v2 =	vmul.f32 $3.333333430e-01, v50;
	v54 =	vld [tilespmem:s19+$0x0]  }
0x2ee: {  	v57 =	vld [tilespmem:s14+$0x0]  }
0x2ef: {  	v58 =	vld [tilespmem:s6+$0x0];
	[tilespmem:s23+$0x18080] =	vst v2  }
0x2f0: {  	v0 =	vadd.f32 v0, v4;
	v55 =	vld [tilespmem:s26+$0xC080]  }
0x2f1: {  	v3 =	vadd.f32 v52, v51;
	v56 =	vld [tilespmem:s7+$0x0]  }
0x2f2: {  	v0 =	vadd.f32 v1, v0;
	v60 =	vadd.f32 v54, v53  }
0x2f3: {  	v59 =	vld [tilespmem:s2+$0x0];
	v3 =	vadd.f32 v57, v3  }
0x2f4: {  	[tilespmem:s8+$0x18080] =	vst v6;
	v0 =	vmul.f32 $3.333333430e-01, v0;
	v1 =	vadd.f32 v58, v60  }
0x2f5: {  	[tilespmem:s9+$0x18080] =	vst v7;
	v3 =	vmul.f32 $3.333333430e-01, v3  }
0x2f6: {  	[tilespmem:s29+$0x18080] =	vst v0;
	v61 =	vadd.f32 v56, v55;
	v62 =	vmul.f32 $3.333333430e-01, v1  }
0x2f7: {  	[tilespmem:s16+$0x18080] =	vst v3  }
0x2f8: {  	v2 =	vadd.f32 v59, v61;
	[tilespmem:s24+$0x18080] =	vst v62  }
0x2f9: {  	s24 =	rddreg [dreg:$0x17]  }
0x2fa: {  	v63 =	vmul.f32 $3.333333430e-01, v2;
	s25 =	rddreg [dreg:$0x18]  }
0x2fb: {  	s28 =	simm.s32 $0x0;
	s0 =	sadd.s32 s25, s24  }
0x2fc: {  	s30 =	simm.s32 $0x3;
	s29 =	simm.s32 $0x18080;
	[tilespmem:s26+$0x18080] =	vst v63;
	s0 =	sadd.s32 $0x800, s0  }
0x2fd: {  	[hbm4b:s0+s28] =	stream.linear.scatter [tilespmem:s29], [sflag:$0x3], $0x4000, $0x38;
	[tilespmem:$0x1C080] =	vst v63  }
0x2fe: {  	_ =	swait.ge [sflag:s30], $0x4000  }
0x2ff: {  	[sflag:s30] =	ssyncset.done $0x0  }
0x300: {  	[sflag:s30] =	ssyncadd.s32 $0xFFFFC000  }
0x301: {  	_ =	sfence.sel $0x180000  }
0x302: {  	[bflag:$0x0] =	sbarrier.arrive $0xFFFF  }
0x303: {  	_ =	strace $0x90000047  }
0x304: {  	s31 =	stileid.u32;
	[bflag:$0x2] =	sbarrier.arrive $0xFFFF  }
0x305: {  	p0 =	sne.s32 s31, $0x0;
	s0 =	rddreg [dreg:$0x2]  }
0x306: {  	s0 =	sadd.s32 @!p0 $0x100000, s0  }
0x307: {  	[sflag:s0] =	ssyncadd.tile.s32 @!p0 $0x1;
	_ =	shalt  }
.Lfunc_end2:
_tile_overlayer_lowered:
.L_overlay_start_2:
0x308: {  	(tag) =	ssettag $0x2  }
0x309: {  	s0 =	rddreg [dreg:$0x0];
	s2 =	stileid.u32  }
0x30a: {  	s1 =	rddreg [dreg:$0x1];
	p0 =	sne.s32 s2, $0x0  }
0x30b: {  	s3 =	rddreg [dreg:$0x2];
	[bflag:$0x3] =	sbarrier.arrive $0xFFFF;
	s2 =	simm.s32 @!p0 $0x1C04  }
0x30c: {  	[timem:s3], [sflag:s2] =	dma.local @!p0 [hbm:s0], s1  }
0x30d: {  	s0 =	simm.s32 @!p0 $0x4  }
0x30e: {  	_ =	swait.ge @!p0 [sflag:s0], s1  }
0x30f: {  	s1 =	ssub.s32 @!p0 $0x0, s1;
	[sflag:s0] =	ssyncset.done @!p0 $0x0  }
0x310: {  	[sflag:s0] =	ssyncadd.s32 @!p0 s1  }
0x311: {  	[bflag:$0x3] =	sbarrier.arrive $0xFFFF  }
0x312: {  	_ =	shalt  }

</sc_bundles>
